<compile_context>
chip_gen: v7x
topology: tpu7x:2x2x1
jax: 0.10.2.dev20260603
libtpu: 0.0.44.dev20260713+nightly
codegen_flags: <defaults>
</compile_context>

<pallas_src>
import functools

import jax
import jax.numpy as jnp
from jax import lax
from jax.experimental import pallas as pl
from jax.experimental.pallas import tpu as pltpu
from jax.experimental.pallas import tpu_sc as plsc

B = 16384
D = 32
NW = 32
BPW = B // NW
CH = BPW // 128
BLK = 2048
TS = 8192
GUS = 18
GBS = 15
GU = 1 << GUS
GB = 1 << GBS
OFFS = (0, 20, 33, 65, 89, 96)


def _tp_body(x0_ref, x1_ref, x2_ref, x3_ref, o_ref):
    o_ref[...] = jnp.concatenate(
        [jnp.transpose(x_ref[...], (1, 0))
         for x_ref in (x0_ref, x1_ref, x2_ref, x3_ref)], axis=1)


def _transpose_pack(tabT, nrows, gblk):
    last = (nrows - 1) // TS

    def spec(m):
        return pl.BlockSpec(
            (D, TS), lambda j, m=m: (0, jnp.minimum(m * gblk + j, last)))

    return pl.pallas_call(
        _tp_body,
        grid=(gblk,),
        in_specs=[spec(0), spec(1), spec(2), spec(3)],
        out_specs=pl.BlockSpec((TS, 4 * D), lambda j: (j, 0)),
        out_shape=jax.ShapeDtypeStruct((gblk * TS, 4 * D), jnp.float32),
    )(tabT, tabT, tabT, tabT)




def _sc_gather_body(g, tab, idx_hbm, out, riv, qiv, gv, sem):
    wid = lax.axis_index("s") * 2 + lax.axis_index("c")
    base = wid * BPW
    pltpu.sync_copy(idx_hbm.at[pl.ds(base, BPW)], riv)
    for c in range(CH):
        for k in range(8):
            v = riv[pl.ds(c * 128 + k * 16, 16)]
            qiv[c, pl.ds(k * 16, 16)] = v & (g - 1)
    copies = [pltpu.async_copy(tab.at[qiv.at[c]],
                               gv.at[pl.ds(c * 128, 128)], sem)
              for c in range(CH)]
    for cp in copies:
        cp.wait()
    pltpu.sync_copy(gv, out.at[pl.ds(base, BPW)])


def _sc_gather(tab, idx, g):
    mesh = plsc.VectorSubcoreMesh(core_axis_name="c", subcore_axis_name="s")
    return pl.kernel(
        functools.partial(_sc_gather_body, g),
        mesh=mesh,
        out_type=jax.ShapeDtypeStruct((B, 128), jnp.float32),
        scratch_types=[
            pltpu.VMEM((BPW,), jnp.int32),
            pltpu.VMEM((CH, 128), jnp.int32),
            pltpu.VMEM((BPW, 128), jnp.float32),
            pltpu.SemaphoreType.DMA,
        ],
    )(tab, idx)


def _chunk_select(g, rem):
    return jnp.where(rem == 0, g[:, 0:32],
                     jnp.where(rem == 1, g[:, 32:64],
                               jnp.where(rem == 2, g[:, 64:96], g[:, 96:128])))


def _tc_body(ut_ref, bt_ref, gue_ref, gbe_ref, ur_ref, br_ref, tfT_ref,
             wut_ref, wbt_ref, wpack_ref, ttab_ref, out_ref):
    f32 = jnp.float32

    def dot_t(a, b):
        return lax.dot_general(a, b, (((1,), (1,)), ((), ())),
                               precision=lax.Precision.HIGHEST,
                               preferred_element_type=f32)

    def dot_n(a, b):
        return lax.dot_general(a, b, (((1,), (0,)), ((), ())),
                               precision=lax.Precision.HIGHEST,
                               preferred_element_type=f32)

    up = dot_t(ut_ref[...], wut_ref[...]) + wpack_ref[7:8, :]
    bp = dot_t(bt_ref[...], wbt_ref[...]) + wpack_ref[8:9, :]
    ue = _chunk_select(gue_ref[...], lax.shift_right_logical(ur_ref[...], GUS))
    be = _chunk_select(gbe_ref[...], lax.shift_right_logical(br_ref[...], GBS))
    wm1 = wpack_ref[0:1, :]
    wm2 = wpack_ref[1:2, :]
    wu1 = wpack_ref[2:3, :]
    wu2 = wpack_ref[3:4, :]
    wb1 = wpack_ref[4:5, :]
    wb2 = wpack_ref[5:6, :]
    t = (ue * (be * wm1 + wu1) + up * (bp * wm2 + wu2)
         + be * wb1 + bp * wb2)
    s = dot_t(jnp.ones((1, D), f32), t)

    tvec = dot_t(wpack_ref[6:7, :], ttab_ref[...])
    subl = lax.broadcasted_iota(jnp.int32, (128, BLK), 0)
    acc = jnp.zeros((128, BLK), f32)
    for j, off in enumerate(OFFS):
        row = tfT_ref[j:j + 1, :] + off
        acc = acc + (subl == row).astype(f32)
    ts = dot_n(tvec, acc)

    out_ref[...] = s + ts + wpack_ref[9:10, 0:1]


def _tc_combine(ut, bt, gue, gbe, ur, br, tfT, wut, wbt, wpack, ttab):
    grid = B // BLK
    return pl.pallas_call(
        _tc_body,
        grid=(grid,),
        in_specs=[
            pl.BlockSpec((BLK, 128), lambda i: (i, 0)),
            pl.BlockSpec((BLK, 128), lambda i: (i, 0)),
            pl.BlockSpec((BLK, 128), lambda i: (i, 0)),
            pl.BlockSpec((BLK, 128), lambda i: (i, 0)),
            pl.BlockSpec((BLK, 1), lambda i: (i, 0)),
            pl.BlockSpec((BLK, 1), lambda i: (i, 0)),
            pl.BlockSpec((6, BLK), lambda i: (0, i)),
            pl.BlockSpec((D, 128), lambda i: (0, 0)),
            pl.BlockSpec((D, 128), lambda i: (0, 0)),
            pl.BlockSpec((16, D), lambda i: (0, 0)),
            pl.BlockSpec((128, D), lambda i: (0, 0)),
        ],
        out_specs=pl.BlockSpec((1, BLK), lambda i: (0, i)),
        out_shape=jax.ShapeDtypeStruct((1, B), jnp.float32),
    )(ut, bt, gue, gbe, ur, br, tfT, wut, wbt, wpack, ttab)


def kernel(user, book, user_tag_embedding, book_tag_embedding, time_features,
           user_table, book_table, W_ut, b_ut, W_bt, b_bt,
           year_t, month_t, day_t, hour_t, weekday_t, isweekend_t,
           W_out, b_out):
    ui = user.astype(jnp.int32)
    bi = book.astype(jnp.int32)
    btab2 = _transpose_pack(book_table.T, 100000, GB // TS)
    gbe = _sc_gather(btab2, bi, GB)
    utab2 = _transpose_pack(user_table.T, 1000000, GU // TS)
    gue = _sc_gather(utab2, ui, GU)

    w = W_out.reshape(224)
    wpack = jnp.zeros((16, D), jnp.float32)
    for r in range(7):
        wpack = wpack.at[r].set(w[r * 32:(r + 1) * 32])
    wpack = wpack.at[7].set(b_ut)
    wpack = wpack.at[8].set(b_bt)
    wpack = wpack.at[9, 0].set(b_out[0])

    ttab = jnp.zeros((128, D), jnp.float32)
    ttab = ttab.at[0:20, 0:10].set(year_t)
    ttab = ttab.at[20:33, 10:15].set(month_t)
    ttab = ttab.at[33:65, 15:20].set(day_t)
    ttab = ttab.at[65:89, 20:25].set(hour_t)
    ttab = ttab.at[89:96, 25:30].set(weekday_t)
    ttab = ttab.at[96:98, 30:32].set(isweekend_t)

    tfT = time_features.astype(jnp.int32).T
    out = _tc_combine(user_tag_embedding, book_tag_embedding, gue, gbe,
                      ui.reshape(B, 1), bi.reshape(B, 1), tfT,
                      W_ut, W_bt, wpack, ttab)
    return out.reshape(B)

# --- scband reference (transcript-rebuilt; emitter-appended) ---
"""Pipeline reference for scband-matrix-factorization-38147899523321 (READ-ONLY COPY).

The authoritative reference and input builder live on the scoring server;
editing this copy changes nothing except your own understanding.
"""

import jax, jax.numpy as jnp
import numpy as np


def setup_inputs(seed: int = 0) -> dict:
    key = jax.random.key(seed)
    ks = jax.random.split(key, 19)
    B = 16384
    user = jax.random.randint(ks[0], (B,), 0, 1000000)
    book = jax.random.randint(ks[1], (B,), 0, 100000)
    user_tag_embedding = jax.random.normal(ks[2], (B, 128), dtype=jnp.float32)
    book_tag_embedding = jax.random.normal(ks[3], (B, 128), dtype=jnp.float32)
    time_features = jax.random.randint(ks[4], (B, 6), 0, 2)
    user_table = jax.random.normal(ks[5], (1000000, 32), dtype=jnp.float32)
    book_table = jax.random.normal(ks[6], (100000, 32), dtype=jnp.float32)
    W_ut = jax.random.normal(ks[7], (32, 128), dtype=jnp.float32) * 0.05
    b_ut = jnp.zeros((32,), dtype=jnp.float32)
    W_bt = jax.random.normal(ks[8], (32, 128), dtype=jnp.float32) * 0.05
    b_bt = jnp.zeros((32,), dtype=jnp.float32)
    year_t = jax.random.normal(ks[9], (20, 10), dtype=jnp.float32)
    month_t = jax.random.normal(ks[10], (13, 5), dtype=jnp.float32)
    day_t = jax.random.normal(ks[11], (32, 5), dtype=jnp.float32)
    hour_t = jax.random.normal(ks[12], (24, 5), dtype=jnp.float32)
    weekday_t = jax.random.normal(ks[13], (7, 5), dtype=jnp.float32)
    isweekend_t = jax.random.normal(ks[14], (2, 2), dtype=jnp.float32)
    W_out = jax.random.normal(ks[15], (1, 224), dtype=jnp.float32) * 0.05
    b_out = jnp.zeros((1,), dtype=jnp.float32)
    return {"user": user, "book": book, "user_tag_embedding": user_tag_embedding,
            "book_tag_embedding": book_tag_embedding, "time_features": time_features,
            "user_table": user_table, "book_table": book_table,
            "W_ut": W_ut, "b_ut": b_ut, "W_bt": W_bt, "b_bt": b_bt,
            "year_t": year_t, "month_t": month_t, "day_t": day_t, "hour_t": hour_t,
            "weekday_t": weekday_t, "isweekend_t": isweekend_t,
            "W_out": W_out, "b_out": b_out}


def reference(user, book, user_tag_embedding, book_tag_embedding, time_features,
              user_table, book_table, W_ut, b_ut, W_bt, b_bt,
              year_t, month_t, day_t, hour_t, weekday_t, isweekend_t,
              W_out, b_out):
    user_emb = jnp.take(user_table, user, axis=0)
    book_emb = jnp.take(book_table, book, axis=0)
    user_tag_proj = user_tag_embedding @ W_ut.T + b_ut
    book_tag_proj = book_tag_embedding @ W_bt.T + b_bt
    combined_user = jnp.concatenate([user_emb, user_tag_proj], axis=1)
    combined_book = jnp.concatenate([book_emb, book_tag_proj], axis=1)
    year_emb = jnp.take(year_t, time_features[:, 0], axis=0)
    month_emb = jnp.take(month_t, time_features[:, 1], axis=0)
    day_emb = jnp.take(day_t, time_features[:, 2], axis=0)
    hour_emb = jnp.take(hour_t, time_features[:, 3], axis=0)
    weekday_emb = jnp.take(weekday_t, time_features[:, 4], axis=0)
    isweekend_emb = jnp.take(isweekend_t, time_features[:, 5], axis=0)
    time_emb = jnp.concatenate([year_emb, month_emb, day_emb, hour_emb, weekday_emb, isweekend_emb], axis=1)
    interaction = jnp.concatenate([combined_user * combined_book, combined_user, combined_book, time_emb], axis=1)
    # dropout is identity in eval/deterministic mode
    output = (interaction @ W_out.T + b_out).squeeze()
    return output

if __name__ == "__main__":
    import jax
    _d = setup_inputs()
    print(jax.jit(kernel)(*tuple(_d.values())))

</pallas_src>

<mosaic_0001>
#map = affine_map<(d0, d1) -> (0, 0)>
#map1 = affine_map<(d0, d1) -> (0)>
module attributes {stable_mosaic.version = 14 : i64} {
  func.func @_sc_gather_body(%arg0: i32, %arg1: i32, %arg2: memref<262144x128xf32, #tpu.memory_space<hbm>>, %arg3: memref<16384xi32, #tpu.memory_space<hbm>>, %arg4: memref<16384x128xf32, #tpu.memory_space<hbm>>, %arg5: memref<512xi32, #tpu.memory_space<vmem>>, %arg6: memref<4x128xi32, #tpu.memory_space<vmem>>, %arg7: memref<512x128xf32, #tpu.memory_space<vmem>>, %arg8: memref<!tpu.dma_semaphore, #tpu.memory_space<semaphore_mem>>) attributes {dimension_semantics = [#tpu.dimension_semantics<core_parallel>, #tpu.dimension_semantics<subcore_parallel>], iteration_bounds = array<i64: 2, 16>, scalar_prefetch = 0 : i64, scratch_operands = 4 : i64, tpu.core_type = #tpu.core_type<sc_vector_subcore>, window_params = [{transform_indices = #map}, {transform_indices = #map1}, {transform_indices = #map}]} {
    %mul3A = arith.constant 2 : i32
    %mul3A_0 = arith.muli %arg1, %mul3A : i32
    %add3A = arith.addi %mul3A_0, %arg0 : i32
    %mul3A_1 = arith.constant 512 : i32
    %mul3A_2 = arith.muli %add3A, %mul3A_1 : i32
    "tpu.region"() ({
      %run_scoped3A = tpu.sem_alloc : memref<!tpu.dma_semaphore, #tpu.memory_space<semaphore_mem>>
      %dma_start3A_462 = tpu.memref_slice %arg3[%mul3A_2] : memref<16384xi32, #tpu.memory_space<hbm>> -> memref<512xi32, #tpu.memory_space<hbm>>
      %dma_start3A_463 = tpu.memref_slice %arg3[%mul3A_2] : memref<16384xi32, #tpu.memory_space<hbm>> -> memref<512xi32, #tpu.memory_space<hbm>>
      tpu.enqueue_dma source(%dma_start3A_463 : memref<512xi32, #tpu.memory_space<hbm>>) target(%arg5 : memref<512xi32, #tpu.memory_space<vmem>>) target_semaphore(%run_scoped3A : memref<!tpu.dma_semaphore, #tpu.memory_space<semaphore_mem>>)
      %dma_wait3A_464 = tpu.memref_slice %arg3[%mul3A_2] : memref<16384xi32, #tpu.memory_space<hbm>> -> memref<512xi32, #tpu.memory_space<hbm>>
      %dma_wait3A_465 = tpu.memref_slice %arg3[%mul3A_2] : memref<16384xi32, #tpu.memory_space<hbm>> -> memref<512xi32, #tpu.memory_space<hbm>>
      tpu.wait_dma2 semaphore(%run_scoped3A : memref<!tpu.dma_semaphore, #tpu.memory_space<semaphore_mem>>) src(%dma_wait3A_465 : memref<512xi32, #tpu.memory_space<hbm>>) dst(%arg5 : memref<512xi32, #tpu.memory_space<vmem>>)
      tpu.yield
    }) : () -> ()
    %get3A = arith.constant 0 : index
    %get3A_3 = tpu.vector_load %arg5[%get3A] {strides = array<i32>} : memref<512xi32, #tpu.memory_space<vmem>>, vector<16xi32>,
    %get3A_4 = vector.shape_cast %get3A_3 : vector<16xi32> to vector<16xi32>
    %and3A = arith.constant 262143 : i32
    %and3A_5 = vector.broadcast %and3A : i32 to vector<16xi32>
    %and3A_6 = arith.andi %get3A_4, %and3A_5 : vector<16xi32>
    %swap3A = arith.constant 0 : i32
    %swap3A_7 = arith.index_cast %swap3A : i32 to index
    %swap3A_8 = arith.constant 0 : index
    %swap3A_9 = tpu.vector_load %arg6[%swap3A_7, %swap3A_8] {strides = array<i32>} : memref<4x128xi32, #tpu.memory_space<vmem>>, vector<1x16xi32>,
    %swap3A_10 = vector.shape_cast %swap3A_9 : vector<1x16xi32> to vector<16xi32>
    %swap3A_11 = vector.shape_cast %and3A_6 : vector<16xi32> to vector<1x16xi32>
    tpu.vector_store %arg6[%swap3A_7, %swap3A_8], %swap3A_11 {strides = array<i32>} : memref<4x128xi32, #tpu.memory_space<vmem>>, vector<1x16xi32>,
    %get3A_12 = arith.constant 16 : index
    %get3A_13 = tpu.vector_load %arg5[%get3A_12] {strides = array<i32>} : memref<512xi32, #tpu.memory_space<vmem>>, vector<16xi32>,
    %get3A_14 = vector.shape_cast %get3A_13 : vector<16xi32> to vector<16xi32>
    %and3A_15 = arith.constant 262143 : i32
    %and3A_16 = vector.broadcast %and3A_15 : i32 to vector<16xi32>
    %and3A_17 = arith.andi %get3A_14, %and3A_16 : vector<16xi32>
    %swap3A_18 = arith.constant 0 : i32
    %swap3A_19 = arith.index_cast %swap3A_18 : i32 to index
    %swap3A_20 = arith.constant 16 : index
    %swap3A_21 = tpu.vector_load %arg6[%swap3A_19, %swap3A_20] {strides = array<i32>} : memref<4x128xi32, #tpu.memory_space<vmem>>, vector<1x16xi32>,
    %swap3A_22 = vector.shape_cast %swap3A_21 : vector<1x16xi32> to vector<16xi32>
    %swap3A_23 = vector.shape_cast %and3A_17 : vector<16xi32> to vector<1x16xi32>
    tpu.vector_store %arg6[%swap3A_19, %swap3A_20], %swap3A_23 {strides = array<i32>} : memref<4x128xi32, #tpu.memory_space<vmem>>, vector<1x16xi32>,
    %get3A_24 = arith.constant 32 : index
    %get3A_25 = tpu.vector_load %arg5[%get3A_24] {strides = array<i32>} : memref<512xi32, #tpu.memory_space<vmem>>, vector<16xi32>,
    %get3A_26 = vector.shape_cast %get3A_25 : vector<16xi32> to vector<16xi32>
    %and3A_27 = arith.constant 262143 : i32
    %and3A_28 = vector.broadcast %and3A_27 : i32 to vector<16xi32>
    %and3A_29 = arith.andi %get3A_26, %and3A_28 : vector<16xi32>
    %swap3A_30 = arith.constant 0 : i32
    %swap3A_31 = arith.index_cast %swap3A_30 : i32 to index
    %swap3A_32 = arith.constant 32 : index
    %swap3A_33 = tpu.vector_load %arg6[%swap3A_31, %swap3A_32] {strides = array<i32>} : memref<4x128xi32, #tpu.memory_space<vmem>>, vector<1x16xi32>,
    %swap3A_34 = vector.shape_cast %swap3A_33 : vector<1x16xi32> to vector<16xi32>
    %swap3A_35 = vector.shape_cast %and3A_29 : vector<16xi32> to vector<1x16xi32>
    tpu.vector_store %arg6[%swap3A_31, %swap3A_32], %swap3A_35 {strides = array<i32>} : memref<4x128xi32, #tpu.memory_space<vmem>>, vector<1x16xi32>,
    %get3A_36 = arith.constant 48 : index
    %get3A_37 = tpu.vector_load %arg5[%get3A_36] {strides = array<i32>} : memref<512xi32, #tpu.memory_space<vmem>>, vector<16xi32>,
    %get3A_38 = vector.shape_cast %get3A_37 : vector<16xi32> to vector<16xi32>
    %and3A_39 = arith.constant 262143 : i32
    %and3A_40 = vector.broadcast %and3A_39 : i32 to vector<16xi32>
    %and3A_41 = arith.andi %get3A_38, %and3A_40 : vector<16xi32>
    %swap3A_42 = arith.constant 0 : i32
    %swap3A_43 = arith.index_cast %swap3A_42 : i32 to index
    %swap3A_44 = arith.constant 48 : index
    %swap3A_45 = tpu.vector_load %arg6[%swap3A_43, %swap3A_44] {strides = array<i32>} : memref<4x128xi32, #tpu.memory_space<vmem>>, vector<1x16xi32>,
    %swap3A_46 = vector.shape_cast %swap3A_45 : vector<1x16xi32> to vector<16xi32>
    %swap3A_47 = vector.shape_cast %and3A_41 : vector<16xi32> to vector<1x16xi32>
    tpu.vector_store %arg6[%swap3A_43, %swap3A_44], %swap3A_47 {strides = array<i32>} : memref<4x128xi32, #tpu.memory_space<vmem>>, vector<1x16xi32>,
    %get3A_48 = arith.constant 64 : index
    %get3A_49 = tpu.vector_load %arg5[%get3A_48] {strides = array<i32>} : memref<512xi32, #tpu.memory_space<vmem>>, vector<16xi32>,
    %get3A_50 = vector.shape_cast %get3A_49 : vector<16xi32> to vector<16xi32>
    %and3A_51 = arith.constant 262143 : i32
    %and3A_52 = vector.broadcast %and3A_51 : i32 to vector<16xi32>
    %and3A_53 = arith.andi %get3A_50, %and3A_52 : vector<16xi32>
    %swap3A_54 = arith.constant 0 : i32
    %swap3A_55 = arith.index_cast %swap3A_54 : i32 to index
    %swap3A_56 = arith.constant 64 : index
    %swap3A_57 = tpu.vector_load %arg6[%swap3A_55, %swap3A_56] {strides = array<i32>} : memref<4x128xi32, #tpu.memory_space<vmem>>, vector<1x16xi32>,
    %swap3A_58 = vector.shape_cast %swap3A_57 : vector<1x16xi32> to vector<16xi32>
    %swap3A_59 = vector.shape_cast %and3A_53 : vector<16xi32> to vector<1x16xi32>
    tpu.vector_store %arg6[%swap3A_55, %swap3A_56], %swap3A_59 {strides = array<i32>} : memref<4x128xi32, #tpu.memory_space<vmem>>, vector<1x16xi32>,
    %get3A_60 = arith.constant 80 : index
    %get3A_61 = tpu.vector_load %arg5[%get3A_60] {strides = array<i32>} : memref<512xi32, #tpu.memory_space<vmem>>, vector<16xi32>,
    %get3A_62 = vector.shape_cast %get3A_61 : vector<16xi32> to vector<16xi32>
    %and3A_63 = arith.constant 262143 : i32
    %and3A_64 = vector.broadcast %and3A_63 : i32 to vector<16xi32>
    %and3A_65 = arith.andi %get3A_62, %and3A_64 : vector<16xi32>
    %swap3A_66 = arith.constant 0 : i32
    %swap3A_67 = arith.index_cast %swap3A_66 : i32 to index
    %swap3A_68 = arith.constant 80 : index
    %swap3A_69 = tpu.vector_load %arg6[%swap3A_67, %swap3A_68] {strides = array<i32>} : memref<4x128xi32, #tpu.memory_space<vmem>>, vector<1x16xi32>,
    %swap3A_70 = vector.shape_cast %swap3A_69 : vector<1x16xi32> to vector<16xi32>
    %swap3A_71 = vector.shape_cast %and3A_65 : vector<16xi32> to vector<1x16xi32>
    tpu.vector_store %arg6[%swap3A_67, %swap3A_68], %swap3A_71 {strides = array<i32>} : memref<4x128xi32, #tpu.memory_space<vmem>>, vector<1x16xi32>,
    %get3A_72 = arith.constant 96 : index
    %get3A_73 = tpu.vector_load %arg5[%get3A_72] {strides = array<i32>} : memref<512xi32, #tpu.memory_space<vmem>>, vector<16xi32>,
    %get3A_74 = vector.shape_cast %get3A_73 : vector<16xi32> to vector<16xi32>
    %and3A_75 = arith.constant 262143 : i32
    %and3A_76 = vector.broadcast %and3A_75 : i32 to vector<16xi32>
    %and3A_77 = arith.andi %get3A_74, %and3A_76 : vector<16xi32>
    %swap3A_78 = arith.constant 0 : i32
    %swap3A_79 = arith.index_cast %swap3A_78 : i32 to index
    %swap3A_80 = arith.constant 96 : index
    %swap3A_81 = tpu.vector_load %arg6[%swap3A_79, %swap3A_80] {strides = array<i32>} : memref<4x128xi32, #tpu.memory_space<vmem>>, vector<1x16xi32>,
    %swap3A_82 = vector.shape_cast %swap3A_81 : vector<1x16xi32> to vector<16xi32>
    %swap3A_83 = vector.shape_cast %and3A_77 : vector<16xi32> to vector<1x16xi32>
    tpu.vector_store %arg6[%swap3A_79, %swap3A_80], %swap3A_83 {strides = array<i32>} : memref<4x128xi32, #tpu.memory_space<vmem>>, vector<1x16xi32>,
    %get3A_84 = arith.constant 112 : index
    %get3A_85 = tpu.vector_load %arg5[%get3A_84] {strides = array<i32>} : memref<512xi32, #tpu.memory_space<vmem>>, vector<16xi32>,
    %get3A_86 = vector.shape_cast %get3A_85 : vector<16xi32> to vector<16xi32>
    %and3A_87 = arith.constant 262143 : i32
    %and3A_88 = vector.broadcast %and3A_87 : i32 to vector<16xi32>
    %and3A_89 = arith.andi %get3A_86, %and3A_88 : vector<16xi32>
    %swap3A_90 = arith.constant 0 : i32
    %swap3A_91 = arith.index_cast %swap3A_90 : i32 to index
    %swap3A_92 = arith.constant 112 : index
    %swap3A_93 = tpu.vector_load %arg6[%swap3A_91, %swap3A_92] {strides = array<i32>} : memref<4x128xi32, #tpu.memory_space<vmem>>, vector<1x16xi32>,
    %swap3A_94 = vector.shape_cast %swap3A_93 : vector<1x16xi32> to vector<16xi32>
    %swap3A_95 = vector.shape_cast %and3A_89 : vector<16xi32> to vector<1x16xi32>
    tpu.vector_store %arg6[%swap3A_91, %swap3A_92], %swap3A_95 {strides = array<i32>} : memref<4x128xi32, #tpu.memory_space<vmem>>, vector<1x16xi32>,
    %get3A_96 = arith.constant 128 : index
    %get3A_97 = tpu.vector_load %arg5[%get3A_96] {strides = array<i32>} : memref<512xi32, #tpu.memory_space<vmem>>, vector<16xi32>,
    %get3A_98 = vector.shape_cast %get3A_97 : vector<16xi32> to vector<16xi32>
    %and3A_99 = arith.constant 262143 : i32
    %and3A_100 = vector.broadcast %and3A_99 : i32 to vector<16xi32>
    %and3A_101 = arith.andi %get3A_98, %and3A_100 : vector<16xi32>
    %swap3A_102 = arith.constant 1 : i32
    %swap3A_103 = arith.index_cast %swap3A_102 : i32 to index
    %swap3A_104 = arith.constant 0 : index
    %swap3A_105 = tpu.vector_load %arg6[%swap3A_103, %swap3A_104] {strides = array<i32>} : memref<4x128xi32, #tpu.memory_space<vmem>>, vector<1x16xi32>,
    %swap3A_106 = vector.shape_cast %swap3A_105 : vector<1x16xi32> to vector<16xi32>
    %swap3A_107 = vector.shape_cast %and3A_101 : vector<16xi32> to vector<1x16xi32>
    tpu.vector_store %arg6[%swap3A_103, %swap3A_104], %swap3A_107 {strides = array<i32>} : memref<4x128xi32, #tpu.memory_space<vmem>>, vector<1x16xi32>,
    %get3A_108 = arith.constant 144 : index
    %get3A_109 = tpu.vector_load %arg5[%get3A_108] {strides = array<i32>} : memref<512xi32, #tpu.memory_space<vmem>>, vector<16xi32>,
    %get3A_110 = vector.shape_cast %get3A_109 : vector<16xi32> to vector<16xi32>
    %and3A_111 = arith.constant 262143 : i32
    %and3A_112 = vector.broadcast %and3A_111 : i32 to vector<16xi32>
    %and3A_113 = arith.andi %get3A_110, %and3A_112 : vector<16xi32>
    %swap3A_114 = arith.constant 1 : i32
    %swap3A_115 = arith.index_cast %swap3A_114 : i32 to index
    %swap3A_116 = arith.constant 16 : index
    %swap3A_117 = tpu.vector_load %arg6[%swap3A_115, %swap3A_116] {strides = array<i32>} : memref<4x128xi32, #tpu.memory_space<vmem>>, vector<1x16xi32>,
    %swap3A_118 = vector.shape_cast %swap3A_117 : vector<1x16xi32> to vector<16xi32>
    %swap3A_119 = vector.shape_cast %and3A_113 : vector<16xi32> to vector<1x16xi32>
    tpu.vector_store %arg6[%swap3A_115, %swap3A_116], %swap3A_119 {strides = array<i32>} : memref<4x128xi32, #tpu.memory_space<vmem>>, vector<1x16xi32>,
    %get3A_120 = arith.constant 160 : index
    %get3A_121 = tpu.vector_load %arg5[%get3A_120] {strides = array<i32>} : memref<512xi32, #tpu.memory_space<vmem>>, vector<16xi32>,
    %get3A_122 = vector.shape_cast %get3A_121 : vector<16xi32> to vector<16xi32>
    %and3A_123 = arith.constant 262143 : i32
    %and3A_124 = vector.broadcast %and3A_123 : i32 to vector<16xi32>
    %and3A_125 = arith.andi %get3A_122, %and3A_124 : vector<16xi32>
    %swap3A_126 = arith.constant 1 : i32
    %swap3A_127 = arith.index_cast %swap3A_126 : i32 to index
    %swap3A_128 = arith.constant 32 : index
    %swap3A_129 = tpu.vector_load %arg6[%swap3A_127, %swap3A_128] {strides = array<i32>} : memref<4x128xi32, #tpu.memory_space<vmem>>, vector<1x16xi32>,
    %swap3A_130 = vector.shape_cast %swap3A_129 : vector<1x16xi32> to vector<16xi32>
    %swap3A_131 = vector.shape_cast %and3A_125 : vector<16xi32> to vector<1x16xi32>
    tpu.vector_store %arg6[%swap3A_127, %swap3A_128], %swap3A_131 {strides = array<i32>} : memref<4x128xi32, #tpu.memory_space<vmem>>, vector<1x16xi32>,
    %get3A_132 = arith.constant 176 : index
    %get3A_133 = tpu.vector_load %arg5[%get3A_132] {strides = array<i32>} : memref<512xi32, #tpu.memory_space<vmem>>, vector<16xi32>,
    %get3A_134 = vector.shape_cast %get3A_133 : vector<16xi32> to vector<16xi32>
    %and3A_135 = arith.constant 262143 : i32
    %and3A_136 = vector.broadcast %and3A_135 : i32 to vector<16xi32>
    %and3A_137 = arith.andi %get3A_134, %and3A_136 : vector<16xi32>
    %swap3A_138 = arith.constant 1 : i32
    %swap3A_139 = arith.index_cast %swap3A_138 : i32 to index
    %swap3A_140 = arith.constant 48 : index
    %swap3A_141 = tpu.vector_load %arg6[%swap3A_139, %swap3A_140] {strides = array<i32>} : memref<4x128xi32, #tpu.memory_space<vmem>>, vector<1x16xi32>,
    %swap3A_142 = vector.shape_cast %swap3A_141 : vector<1x16xi32> to vector<16xi32>
    %swap3A_143 = vector.shape_cast %and3A_137 : vector<16xi32> to vector<1x16xi32>
    tpu.vector_store %arg6[%swap3A_139, %swap3A_140], %swap3A_143 {strides = array<i32>} : memref<4x128xi32, #tpu.memory_space<vmem>>, vector<1x16xi32>,
    %get3A_144 = arith.constant 192 : index
    %get3A_145 = tpu.vector_load %arg5[%get3A_144] {strides = array<i32>} : memref<512xi32, #tpu.memory_space<vmem>>, vector<16xi32>,
    %get3A_146 = vector.shape_cast %get3A_145 : vector<16xi32> to vector<16xi32>
    %and3A_147 = arith.constant 262143 : i32
    %and3A_148 = vector.broadcast %and3A_147 : i32 to vector<16xi32>
    %and3A_149 = arith.andi %get3A_146, %and3A_148 : vector<16xi32>
    %swap3A_150 = arith.constant 1 : i32
    %swap3A_151 = arith.index_cast %swap3A_150 : i32 to index
    %swap3A_152 = arith.constant 64 : index
    %swap3A_153 = tpu.vector_load %arg6[%swap3A_151, %swap3A_152] {strides = array<i32>} : memref<4x128xi32, #tpu.memory_space<vmem>>, vector<1x16xi32>,
    %swap3A_154 = vector.shape_cast %swap3A_153 : vector<1x16xi32> to vector<16xi32>
    %swap3A_155 = vector.shape_cast %and3A_149 : vector<16xi32> to vector<1x16xi32>
    tpu.vector_store %arg6[%swap3A_151, %swap3A_152], %swap3A_155 {strides = array<i32>} : memref<4x128xi32, #tpu.memory_space<vmem>>, vector<1x16xi32>,
    %get3A_156 = arith.constant 208 : index
    %get3A_157 = tpu.vector_load %arg5[%get3A_156] {strides = array<i32>} : memref<512xi32, #tpu.memory_space<vmem>>, vector<16xi32>,
    %get3A_158 = vector.shape_cast %get3A_157 : vector<16xi32> to vector<16xi32>
    %and3A_159 = arith.constant 262143 : i32
    %and3A_160 = vector.broadcast %and3A_159 : i32 to vector<16xi32>
    %and3A_161 = arith.andi %get3A_158, %and3A_160 : vector<16xi32>
    %swap3A_162 = arith.constant 1 : i32
    %swap3A_163 = arith.index_cast %swap3A_162 : i32 to index
    %swap3A_164 = arith.constant 80 : index
    %swap3A_165 = tpu.vector_load %arg6[%swap3A_163, %swap3A_164] {strides = array<i32>} : memref<4x128xi32, #tpu.memory_space<vmem>>, vector<1x16xi32>,
    %swap3A_166 = vector.shape_cast %swap3A_165 : vector<1x16xi32> to vector<16xi32>
    %swap3A_167 = vector.shape_cast %and3A_161 : vector<16xi32> to vector<1x16xi32>
    tpu.vector_store %arg6[%swap3A_163, %swap3A_164], %swap3A_167 {strides = array<i32>} : memref<4x128xi32, #tpu.memory_space<vmem>>, vector<1x16xi32>,
    %get3A_168 = arith.constant 224 : index
    %get3A_169 = tpu.vector_load %arg5[%get3A_168] {strides = array<i32>} : memref<512xi32, #tpu.memory_space<vmem>>, vector<16xi32>,
    %get3A_170 = vector.shape_cast %get3A_169 : vector<16xi32> to vector<16xi32>
    %and3A_171 = arith.constant 262143 : i32
    %and3A_172 = vector.broadcast %and3A_171 : i32 to vector<16xi32>
    %and3A_173 = arith.andi %get3A_170, %and3A_172 : vector<16xi32>
    %swap3A_174 = arith.constant 1 : i32
    %swap3A_175 = arith.index_cast %swap3A_174 : i32 to index
    %swap3A_176 = arith.constant 96 : index
    %swap3A_177 = tpu.vector_load %arg6[%swap3A_175, %swap3A_176] {strides = array<i32>} : memref<4x128xi32, #tpu.memory_space<vmem>>, vector<1x16xi32>,
    %swap3A_178 = vector.shape_cast %swap3A_177 : vector<1x16xi32> to vector<16xi32>
    %swap3A_179 = vector.shape_cast %and3A_173 : vector<16xi32> to vector<1x16xi32>
    tpu.vector_store %arg6[%swap3A_175, %swap3A_176], %swap3A_179 {strides = array<i32>} : memref<4x128xi32, #tpu.memory_space<vmem>>, vector<1x16xi32>,
    %get3A_180 = arith.constant 240 : index
    %get3A_181 = tpu.vector_load %arg5[%get3A_180] {strides = array<i32>} : memref<512xi32, #tpu.memory_space<vmem>>, vector<16xi32>,
    %get3A_182 = vector.shape_cast %get3A_181 : vector<16xi32> to vector<16xi32>
    %and3A_183 = arith.constant 262143 : i32
    %and3A_184 = vector.broadcast %and3A_183 : i32 to vector<16xi32>
    %and3A_185 = arith.andi %get3A_182, %and3A_184 : vector<16xi32>
    %swap3A_186 = arith.constant 1 : i32
    %swap3A_187 = arith.index_cast %swap3A_186 : i32 to index
    %swap3A_188 = arith.constant 112 : index
    %swap3A_189 = tpu.vector_load %arg6[%swap3A_187, %swap3A_188] {strides = array<i32>} : memref<4x128xi32, #tpu.memory_space<vmem>>, vector<1x16xi32>,
    %swap3A_190 = vector.shape_cast %swap3A_189 : vector<1x16xi32> to vector<16xi32>
    %swap3A_191 = vector.shape_cast %and3A_185 : vector<16xi32> to vector<1x16xi32>
    tpu.vector_store %arg6[%swap3A_187, %swap3A_188], %swap3A_191 {strides = array<i32>} : memref<4x128xi32, #tpu.memory_space<vmem>>, vector<1x16xi32>,
    %get3A_192 = arith.constant 256 : index
    %get3A_193 = tpu.vector_load %arg5[%get3A_192] {strides = array<i32>} : memref<512xi32, #tpu.memory_space<vmem>>, vector<16xi32>,
    %get3A_194 = vector.shape_cast %get3A_193 : vector<16xi32> to vector<16xi32>
    %and3A_195 = arith.constant 262143 : i32
    %and3A_196 = vector.broadcast %and3A_195 : i32 to vector<16xi32>
    %and3A_197 = arith.andi %get3A_194, %and3A_196 : vector<16xi32>
    %swap3A_198 = arith.constant 2 : i32
    %swap3A_199 = arith.index_cast %swap3A_198 : i32 to index
    %swap3A_200 = arith.constant 0 : index
    %swap3A_201 = tpu.vector_load %arg6[%swap3A_199, %swap3A_200] {strides = array<i32>} : memref<4x128xi32, #tpu.memory_space<vmem>>, vector<1x16xi32>,
    %swap3A_202 = vector.shape_cast %swap3A_201 : vector<1x16xi32> to vector<16xi32>
    %swap3A_203 = vector.shape_cast %and3A_197 : vector<16xi32> to vector<1x16xi32>
    tpu.vector_store %arg6[%swap3A_199, %swap3A_200], %swap3A_203 {strides = array<i32>} : memref<4x128xi32, #tpu.memory_space<vmem>>, vector<1x16xi32>,
    %get3A_204 = arith.constant 272 : index
    %get3A_205 = tpu.vector_load %arg5[%get3A_204] {strides = array<i32>} : memref<512xi32, #tpu.memory_space<vmem>>, vector<16xi32>,
    %get3A_206 = vector.shape_cast %get3A_205 : vector<16xi32> to vector<16xi32>
    %and3A_207 = arith.constant 262143 : i32
    %and3A_208 = vector.broadcast %and3A_207 : i32 to vector<16xi32>
    %and3A_209 = arith.andi %get3A_206, %and3A_208 : vector<16xi32>
    %swap3A_210 = arith.constant 2 : i32
    %swap3A_211 = arith.index_cast %swap3A_210 : i32 to index
    %swap3A_212 = arith.constant 16 : index
    %swap3A_213 = tpu.vector_load %arg6[%swap3A_211, %swap3A_212] {strides = array<i32>} : memref<4x128xi32, #tpu.memory_space<vmem>>, vector<1x16xi32>,
    %swap3A_214 = vector.shape_cast %swap3A_213 : vector<1x16xi32> to vector<16xi32>
    %swap3A_215 = vector.shape_cast %and3A_209 : vector<16xi32> to vector<1x16xi32>
    tpu.vector_store %arg6[%swap3A_211, %swap3A_212], %swap3A_215 {strides = array<i32>} : memref<4x128xi32, #tpu.memory_space<vmem>>, vector<1x16xi32>,
    %get3A_216 = arith.constant 288 : index
    %get3A_217 = tpu.vector_load %arg5[%get3A_216] {strides = array<i32>} : memref<512xi32, #tpu.memory_space<vmem>>, vector<16xi32>,
    %get3A_218 = vector.shape_cast %get3A_217 : vector<16xi32> to vector<16xi32>
    %and3A_219 = arith.constant 262143 : i32
    %and3A_220 = vector.broadcast %and3A_219 : i32 to vector<16xi32>
    %and3A_221 = arith.andi %get3A_218, %and3A_220 : vector<16xi32>
    %swap3A_222 = arith.constant 2 : i32
    %swap3A_223 = arith.index_cast %swap3A_222 : i32 to index
    %swap3A_224 = arith.constant 32 : index
    %swap3A_225 = tpu.vector_load %arg6[%swap3A_223, %swap3A_224] {strides = array<i32>} : memref<4x128xi32, #tpu.memory_space<vmem>>, vector<1x16xi32>,
    %swap3A_226 = vector.shape_cast %swap3A_225 : vector<1x16xi32> to vector<16xi32>
    %swap3A_227 = vector.shape_cast %and3A_221 : vector<16xi32> to vector<1x16xi32>
    tpu.vector_store %arg6[%swap3A_223, %swap3A_224], %swap3A_227 {strides = array<i32>} : memref<4x128xi32, #tpu.memory_space<vmem>>, vector<1x16xi32>,
    %get3A_228 = arith.constant 304 : index
    %get3A_229 = tpu.vector_load %arg5[%get3A_228] {strides = array<i32>} : memref<512xi32, #tpu.memory_space<vmem>>, vector<16xi32>,
    %get3A_230 = vector.shape_cast %get3A_229 : vector<16xi32> to vector<16xi32>
    %and3A_231 = arith.constant 262143 : i32
    %and3A_232 = vector.broadcast %and3A_231 : i32 to vector<16xi32>
    %and3A_233 = arith.andi %get3A_230, %and3A_232 : vector<16xi32>
    %swap3A_234 = arith.constant 2 : i32
    %swap3A_235 = arith.index_cast %swap3A_234 : i32 to index
    %swap3A_236 = arith.constant 48 : index
    %swap3A_237 = tpu.vector_load %arg6[%swap3A_235, %swap3A_236] {strides = array<i32>} : memref<4x128xi32, #tpu.memory_space<vmem>>, vector<1x16xi32>,
    %swap3A_238 = vector.shape_cast %swap3A_237 : vector<1x16xi32> to vector<16xi32>
    %swap3A_239 = vector.shape_cast %and3A_233 : vector<16xi32> to vector<1x16xi32>
    tpu.vector_store %arg6[%swap3A_235, %swap3A_236], %swap3A_239 {strides = array<i32>} : memref<4x128xi32, #tpu.memory_space<vmem>>, vector<1x16xi32>,
    %get3A_240 = arith.constant 320 : index
    %get3A_241 = tpu.vector_load %arg5[%get3A_240] {strides = array<i32>} : memref<512xi32, #tpu.memory_space<vmem>>, vector<16xi32>,
    %get3A_242 = vector.shape_cast %get3A_241 : vector<16xi32> to vector<16xi32>
    %and3A_243 = arith.constant 262143 : i32
    %and3A_244 = vector.broadcast %and3A_243 : i32 to vector<16xi32>
    %and3A_245 = arith.andi %get3A_242, %and3A_244 : vector<16xi32>
    %swap3A_246 = arith.constant 2 : i32
    %swap3A_247 = arith.index_cast %swap3A_246 : i32 to index
    %swap3A_248 = arith.constant 64 : index
    %swap3A_249 = tpu.vector_load %arg6[%swap3A_247, %swap3A_248] {strides = array<i32>} : memref<4x128xi32, #tpu.memory_space<vmem>>, vector<1x16xi32>,
    %swap3A_250 = vector.shape_cast %swap3A_249 : vector<1x16xi32> to vector<16xi32>
    %swap3A_251 = vector.shape_cast %and3A_245 : vector<16xi32> to vector<1x16xi32>
    tpu.vector_store %arg6[%swap3A_247, %swap3A_248], %swap3A_251 {strides = array<i32>} : memref<4x128xi32, #tpu.memory_space<vmem>>, vector<1x16xi32>,
    %get3A_252 = arith.constant 336 : index
    %get3A_253 = tpu.vector_load %arg5[%get3A_252] {strides = array<i32>} : memref<512xi32, #tpu.memory_space<vmem>>, vector<16xi32>,
    %get3A_254 = vector.shape_cast %get3A_253 : vector<16xi32> to vector<16xi32>
    %and3A_255 = arith.constant 262143 : i32
    %and3A_256 = vector.broadcast %and3A_255 : i32 to vector<16xi32>
    %and3A_257 = arith.andi %get3A_254, %and3A_256 : vector<16xi32>
    %swap3A_258 = arith.constant 2 : i32
    %swap3A_259 = arith.index_cast %swap3A_258 : i32 to index
    %swap3A_260 = arith.constant 80 : index
    %swap3A_261 = tpu.vector_load %arg6[%swap3A_259, %swap3A_260] {strides = array<i32>} : memref<4x128xi32, #tpu.memory_space<vmem>>, vector<1x16xi32>,
    %swap3A_262 = vector.shape_cast %swap3A_261 : vector<1x16xi32> to vector<16xi32>
    %swap3A_263 = vector.shape_cast %and3A_257 : vector<16xi32> to vector<1x16xi32>
    tpu.vector_store %arg6[%swap3A_259, %swap3A_260], %swap3A_263 {strides = array<i32>} : memref<4x128xi32, #tpu.memory_space<vmem>>, vector<1x16xi32>,
    %get3A_264 = arith.constant 352 : index
    %get3A_265 = tpu.vector_load %arg5[%get3A_264] {strides = array<i32>} : memref<512xi32, #tpu.memory_space<vmem>>, vector<16xi32>,
    %get3A_266 = vector.shape_cast %get3A_265 : vector<16xi32> to vector<16xi32>
    %and3A_267 = arith.constant 262143 : i32
    %and3A_268 = vector.broadcast %and3A_267 : i32 to vector<16xi32>
    %and3A_269 = arith.andi %get3A_266, %and3A_268 : vector<16xi32>
    %swap3A_270 = arith.constant 2 : i32
    %swap3A_271 = arith.index_cast %swap3A_270 : i32 to index
    %swap3A_272 = arith.constant 96 : index
    %swap3A_273 = tpu.vector_load %arg6[%swap3A_271, %swap3A_272] {strides = array<i32>} : memref<4x128xi32, #tpu.memory_space<vmem>>, vector<1x16xi32>,
    %swap3A_274 = vector.shape_cast %swap3A_273 : vector<1x16xi32> to vector<16xi32>
    %swap3A_275 = vector.shape_cast %and3A_269 : vector<16xi32> to vector<1x16xi32>
    tpu.vector_store %arg6[%swap3A_271, %swap3A_272], %swap3A_275 {strides = array<i32>} : memref<4x128xi32, #tpu.memory_space<vmem>>, vector<1x16xi32>,
    %get3A_276 = arith.constant 368 : index
    %get3A_277 = tpu.vector_load %arg5[%get3A_276] {strides = array<i32>} : memref<512xi32, #tpu.memory_space<vmem>>, vector<16xi32>,
    %get3A_278 = vector.shape_cast %get3A_277 : vector<16xi32> to vector<16xi32>
    %and3A_279 = arith.constant 262143 : i32
    %and3A_280 = vector.broadcast %and3A_279 : i32 to vector<16xi32>
    %and3A_281 = arith.andi %get3A_278, %and3A_280 : vector<16xi32>
    %swap3A_282 = arith.constant 2 : i32
    %swap3A_283 = arith.index_cast %swap3A_282 : i32 to index
    %swap3A_284 = arith.constant 112 : index
    %swap3A_285 = tpu.vector_load %arg6[%swap3A_283, %swap3A_284] {strides = array<i32>} : memref<4x128xi32, #tpu.memory_space<vmem>>, vector<1x16xi32>,
    %swap3A_286 = vector.shape_cast %swap3A_285 : vector<1x16xi32> to vector<16xi32>
    %swap3A_287 = vector.shape_cast %and3A_281 : vector<16xi32> to vector<1x16xi32>
    tpu.vector_store %arg6[%swap3A_283, %swap3A_284], %swap3A_287 {strides = array<i32>} : memref<4x128xi32, #tpu.memory_space<vmem>>, vector<1x16xi32>,
    %get3A_288 = arith.constant 384 : index
    %get3A_289 = tpu.vector_load %arg5[%get3A_288] {strides = array<i32>} : memref<512xi32, #tpu.memory_space<vmem>>, vector<16xi32>,
    %get3A_290 = vector.shape_cast %get3A_289 : vector<16xi32> to vector<16xi32>
    %and3A_291 = arith.constant 262143 : i32
    %and3A_292 = vector.broadcast %and3A_291 : i32 to vector<16xi32>
    %and3A_293 = arith.andi %get3A_290, %and3A_292 : vector<16xi32>
    %swap3A_294 = arith.constant 3 : i32
    %swap3A_295 = arith.index_cast %swap3A_294 : i32 to index
    %swap3A_296 = arith.constant 0 : index
    %swap3A_297 = tpu.vector_load %arg6[%swap3A_295, %swap3A_296] {strides = array<i32>} : memref<4x128xi32, #tpu.memory_space<vmem>>, vector<1x16xi32>,
    %swap3A_298 = vector.shape_cast %swap3A_297 : vector<1x16xi32> to vector<16xi32>
    %swap3A_299 = vector.shape_cast %and3A_293 : vector<16xi32> to vector<1x16xi32>
    tpu.vector_store %arg6[%swap3A_295, %swap3A_296], %swap3A_299 {strides = array<i32>} : memref<4x128xi32, #tpu.memory_space<vmem>>, vector<1x16xi32>,
    %get3A_300 = arith.constant 400 : index
    %get3A_301 = tpu.vector_load %arg5[%get3A_300] {strides = array<i32>} : memref<512xi32, #tpu.memory_space<vmem>>, vector<16xi32>,
    %get3A_302 = vector.shape_cast %get3A_301 : vector<16xi32> to vector<16xi32>
    %and3A_303 = arith.constant 262143 : i32
    %and3A_304 = vector.broadcast %and3A_303 : i32 to vector<16xi32>
    %and3A_305 = arith.andi %get3A_302, %and3A_304 : vector<16xi32>
    %swap3A_306 = arith.constant 3 : i32
    %swap3A_307 = arith.index_cast %swap3A_306 : i32 to index
    %swap3A_308 = arith.constant 16 : index
    %swap3A_309 = tpu.vector_load %arg6[%swap3A_307, %swap3A_308] {strides = array<i32>} : memref<4x128xi32, #tpu.memory_space<vmem>>, vector<1x16xi32>,
    %swap3A_310 = vector.shape_cast %swap3A_309 : vector<1x16xi32> to vector<16xi32>
    %swap3A_311 = vector.shape_cast %and3A_305 : vector<16xi32> to vector<1x16xi32>
    tpu.vector_store %arg6[%swap3A_307, %swap3A_308], %swap3A_311 {strides = array<i32>} : memref<4x128xi32, #tpu.memory_space<vmem>>, vector<1x16xi32>,
    %get3A_312 = arith.constant 416 : index
    %get3A_313 = tpu.vector_load %arg5[%get3A_312] {strides = array<i32>} : memref<512xi32, #tpu.memory_space<vmem>>, vector<16xi32>,
    %get3A_314 = vector.shape_cast %get3A_313 : vector<16xi32> to vector<16xi32>
    %and3A_315 = arith.constant 262143 : i32
    %and3A_316 = vector.broadcast %and3A_315 : i32 to vector<16xi32>
    %and3A_317 = arith.andi %get3A_314, %and3A_316 : vector<16xi32>
    %swap3A_318 = arith.constant 3 : i32
    %swap3A_319 = arith.index_cast %swap3A_318 : i32 to index
    %swap3A_320 = arith.constant 32 : index
    %swap3A_321 = tpu.vector_load %arg6[%swap3A_319, %swap3A_320] {strides = array<i32>} : memref<4x128xi32, #tpu.memory_space<vmem>>, vector<1x16xi32>,
    %swap3A_322 = vector.shape_cast %swap3A_321 : vector<1x16xi32> to vector<16xi32>
    %swap3A_323 = vector.shape_cast %and3A_317 : vector<16xi32> to vector<1x16xi32>
    tpu.vector_store %arg6[%swap3A_319, %swap3A_320], %swap3A_323 {strides = array<i32>} : memref<4x128xi32, #tpu.memory_space<vmem>>, vector<1x16xi32>,
    %get3A_324 = arith.constant 432 : index
    %get3A_325 = tpu.vector_load %arg5[%get3A_324] {strides = array<i32>} : memref<512xi32, #tpu.memory_space<vmem>>, vector<16xi32>,
    %get3A_326 = vector.shape_cast %get3A_325 : vector<16xi32> to vector<16xi32>
    %and3A_327 = arith.constant 262143 : i32
    %and3A_328 = vector.broadcast %and3A_327 : i32 to vector<16xi32>
    %and3A_329 = arith.andi %get3A_326, %and3A_328 : vector<16xi32>
    %swap3A_330 = arith.constant 3 : i32
    %swap3A_331 = arith.index_cast %swap3A_330 : i32 to index
    %swap3A_332 = arith.constant 48 : index
    %swap3A_333 = tpu.vector_load %arg6[%swap3A_331, %swap3A_332] {strides = array<i32>} : memref<4x128xi32, #tpu.memory_space<vmem>>, vector<1x16xi32>,
    %swap3A_334 = vector.shape_cast %swap3A_333 : vector<1x16xi32> to vector<16xi32>
    %swap3A_335 = vector.shape_cast %and3A_329 : vector<16xi32> to vector<1x16xi32>
    tpu.vector_store %arg6[%swap3A_331, %swap3A_332], %swap3A_335 {strides = array<i32>} : memref<4x128xi32, #tpu.memory_space<vmem>>, vector<1x16xi32>,
    %get3A_336 = arith.constant 448 : index
    %get3A_337 = tpu.vector_load %arg5[%get3A_336] {strides = array<i32>} : memref<512xi32, #tpu.memory_space<vmem>>, vector<16xi32>,
    %get3A_338 = vector.shape_cast %get3A_337 : vector<16xi32> to vector<16xi32>
    %and3A_339 = arith.constant 262143 : i32
    %and3A_340 = vector.broadcast %and3A_339 : i32 to vector<16xi32>
    %and3A_341 = arith.andi %get3A_338, %and3A_340 : vector<16xi32>
    %swap3A_342 = arith.constant 3 : i32
    %swap3A_343 = arith.index_cast %swap3A_342 : i32 to index
    %swap3A_344 = arith.constant 64 : index
    %swap3A_345 = tpu.vector_load %arg6[%swap3A_343, %swap3A_344] {strides = array<i32>} : memref<4x128xi32, #tpu.memory_space<vmem>>, vector<1x16xi32>,
    %swap3A_346 = vector.shape_cast %swap3A_345 : vector<1x16xi32> to vector<16xi32>
    %swap3A_347 = vector.shape_cast %and3A_341 : vector<16xi32> to vector<1x16xi32>
    tpu.vector_store %arg6[%swap3A_343, %swap3A_344], %swap3A_347 {strides = array<i32>} : memref<4x128xi32, #tpu.memory_space<vmem>>, vector<1x16xi32>,
    %get3A_348 = arith.constant 464 : index
    %get3A_349 = tpu.vector_load %arg5[%get3A_348] {strides = array<i32>} : memref<512xi32, #tpu.memory_space<vmem>>, vector<16xi32>,
    %get3A_350 = vector.shape_cast %get3A_349 : vector<16xi32> to vector<16xi32>
    %and3A_351 = arith.constant 262143 : i32
    %and3A_352 = vector.broadcast %and3A_351 : i32 to vector<16xi32>
    %and3A_353 = arith.andi %get3A_350, %and3A_352 : vector<16xi32>
    %swap3A_354 = arith.constant 3 : i32
    %swap3A_355 = arith.index_cast %swap3A_354 : i32 to index
    %swap3A_356 = arith.constant 80 : index
    %swap3A_357 = tpu.vector_load %arg6[%swap3A_355, %swap3A_356] {strides = array<i32>} : memref<4x128xi32, #tpu.memory_space<vmem>>, vector<1x16xi32>,
    %swap3A_358 = vector.shape_cast %swap3A_357 : vector<1x16xi32> to vector<16xi32>
    %swap3A_359 = vector.shape_cast %and3A_353 : vector<16xi32> to vector<1x16xi32>
    tpu.vector_store %arg6[%swap3A_355, %swap3A_356], %swap3A_359 {strides = array<i32>} : memref<4x128xi32, #tpu.memory_space<vmem>>, vector<1x16xi32>,
    %get3A_360 = arith.constant 480 : index
    %get3A_361 = tpu.vector_load %arg5[%get3A_360] {strides = array<i32>} : memref<512xi32, #tpu.memory_space<vmem>>, vector<16xi32>,
    %get3A_362 = vector.shape_cast %get3A_361 : vector<16xi32> to vector<16xi32>
    %and3A_363 = arith.constant 262143 : i32
    %and3A_364 = vector.broadcast %and3A_363 : i32 to vector<16xi32>
    %and3A_365 = arith.andi %get3A_362, %and3A_364 : vector<16xi32>
    %swap3A_366 = arith.constant 3 : i32
    %swap3A_367 = arith.index_cast %swap3A_366 : i32 to index
    %swap3A_368 = arith.constant 96 : index
    %swap3A_369 = tpu.vector_load %arg6[%swap3A_367, %swap3A_368] {strides = array<i32>} : memref<4x128xi32, #tpu.memory_space<vmem>>, vector<1x16xi32>,
    %swap3A_370 = vector.shape_cast %swap3A_369 : vector<1x16xi32> to vector<16xi32>
    %swap3A_371 = vector.shape_cast %and3A_365 : vector<16xi32> to vector<1x16xi32>
    tpu.vector_store %arg6[%swap3A_367, %swap3A_368], %swap3A_371 {strides = array<i32>} : memref<4x128xi32, #tpu.memory_space<vmem>>, vector<1x16xi32>,
    %get3A_372 = arith.constant 496 : index
    %get3A_373 = tpu.vector_load %arg5[%get3A_372] {strides = array<i32>} : memref<512xi32, #tpu.memory_space<vmem>>, vector<16xi32>,
    %get3A_374 = vector.shape_cast %get3A_373 : vector<16xi32> to vector<16xi32>
    %and3A_375 = arith.constant 262143 : i32
    %and3A_376 = vector.broadcast %and3A_375 : i32 to vector<16xi32>
    %and3A_377 = arith.andi %get3A_374, %and3A_376 : vector<16xi32>
    %swap3A_378 = arith.constant 3 : i32
    %swap3A_379 = arith.index_cast %swap3A_378 : i32 to index
    %swap3A_380 = arith.constant 112 : index
    %swap3A_381 = tpu.vector_load %arg6[%swap3A_379, %swap3A_380] {strides = array<i32>} : memref<4x128xi32, #tpu.memory_space<vmem>>, vector<1x16xi32>,
    %swap3A_382 = vector.shape_cast %swap3A_381 : vector<1x16xi32> to vector<16xi32>
    %swap3A_383 = vector.shape_cast %and3A_377 : vector<16xi32> to vector<1x16xi32>
    tpu.vector_store %arg6[%swap3A_379, %swap3A_380], %swap3A_383 {strides = array<i32>} : memref<4x128xi32, #tpu.memory_space<vmem>>, vector<1x16xi32>,
    %dma_start3A = arith.constant 0 : i32
    %dma_start3A_384 = arith.constant 0 : i32
    %dma_start3A_385 = arith.constant 0 : i32
    %dma_start3A_386 = tpu.memref_slice %arg7[%dma_start3A_384, %dma_start3A_385] : memref<512x128xf32, #tpu.memory_space<vmem>> -> memref<128x128xf32, #tpu.memory_space<vmem>>
    %dma_start3A_387 = arith.constant 0 : i32
    %dma_start3A_388 = tpu.memref_slice %arg6[%dma_start3A, %dma_start3A_387] : memref<4x128xi32, #tpu.memory_space<vmem>> -> memref<1x128xi32, #tpu.memory_space<vmem>>
    %dma_start3A_389 = tpu.memref_squeeze %dma_start3A_388 : memref<1x128xi32, #tpu.memory_space<vmem>> -> memref<128xi32, #tpu.memory_space<vmem>>
    %dma_start3A_390 = arith.constant 0 : i32
    %dma_start3A_391 = arith.constant 0 : i32
    %dma_start3A_392 = tpu.memref_slice %arg2[%dma_start3A_390, %dma_start3A_391] : memref<262144x128xf32, #tpu.memory_space<hbm>> -> memref<262144x128xf32, #tpu.memory_space<hbm>>
    tpu.enqueue_indirect_dma source(%dma_start3A_392 : memref<262144x128xf32, #tpu.memory_space<hbm>>) target(%dma_start3A_386 : memref<128x128xf32, #tpu.memory_space<vmem>>) offsets(%dma_start3A_389 : memref<128xi32, #tpu.memory_space<vmem>>) semaphore(%arg8 : memref<!tpu.dma_semaphore, #tpu.memory_space<semaphore_mem>>)
    %dma_start3A_393 = arith.constant 1 : i32
    %dma_start3A_394 = arith.constant 128 : i32
    %dma_start3A_395 = arith.constant 0 : i32
    %dma_start3A_396 = tpu.memref_slice %arg7[%dma_start3A_394, %dma_start3A_395] : memref<512x128xf32, #tpu.memory_space<vmem>> -> memref<128x128xf32, #tpu.memory_space<vmem>>
    %dma_start3A_397 = arith.constant 0 : i32
    %dma_start3A_398 = tpu.memref_slice %arg6[%dma_start3A_393, %dma_start3A_397] : memref<4x128xi32, #tpu.memory_space<vmem>> -> memref<1x128xi32, #tpu.memory_space<vmem>>
    %dma_start3A_399 = tpu.memref_squeeze %dma_start3A_398 : memref<1x128xi32, #tpu.memory_space<vmem>> -> memref<128xi32, #tpu.memory_space<vmem>>
    %dma_start3A_400 = arith.constant 0 : i32
    %dma_start3A_401 = arith.constant 0 : i32
    %dma_start3A_402 = tpu.memref_slice %arg2[%dma_start3A_400, %dma_start3A_401] : memref<262144x128xf32, #tpu.memory_space<hbm>> -> memref<262144x128xf32, #tpu.memory_space<hbm>>
    tpu.enqueue_indirect_dma source(%dma_start3A_402 : memref<262144x128xf32, #tpu.memory_space<hbm>>) target(%dma_start3A_396 : memref<128x128xf32, #tpu.memory_space<vmem>>) offsets(%dma_start3A_399 : memref<128xi32, #tpu.memory_space<vmem>>) semaphore(%arg8 : memref<!tpu.dma_semaphore, #tpu.memory_space<semaphore_mem>>)
    %dma_start3A_403 = arith.constant 2 : i32
    %dma_start3A_404 = arith.constant 256 : i32
    %dma_start3A_405 = arith.constant 0 : i32
    %dma_start3A_406 = tpu.memref_slice %arg7[%dma_start3A_404, %dma_start3A_405] : memref<512x128xf32, #tpu.memory_space<vmem>> -> memref<128x128xf32, #tpu.memory_space<vmem>>
    %dma_start3A_407 = arith.constant 0 : i32
    %dma_start3A_408 = tpu.memref_slice %arg6[%dma_start3A_403, %dma_start3A_407] : memref<4x128xi32, #tpu.memory_space<vmem>> -> memref<1x128xi32, #tpu.memory_space<vmem>>
    %dma_start3A_409 = tpu.memref_squeeze %dma_start3A_408 : memref<1x128xi32, #tpu.memory_space<vmem>> -> memref<128xi32, #tpu.memory_space<vmem>>
    %dma_start3A_410 = arith.constant 0 : i32
    %dma_start3A_411 = arith.constant 0 : i32
    %dma_start3A_412 = tpu.memref_slice %arg2[%dma_start3A_410, %dma_start3A_411] : memref<262144x128xf32, #tpu.memory_space<hbm>> -> memref<262144x128xf32, #tpu.memory_space<hbm>>
    tpu.enqueue_indirect_dma source(%dma_start3A_412 : memref<262144x128xf32, #tpu.memory_space<hbm>>) target(%dma_start3A_406 : memref<128x128xf32, #tpu.memory_space<vmem>>) offsets(%dma_start3A_409 : memref<128xi32, #tpu.memory_space<vmem>>) semaphore(%arg8 : memref<!tpu.dma_semaphore, #tpu.memory_space<semaphore_mem>>)
    %dma_start3A_413 = arith.constant 3 : i32
    %dma_start3A_414 = arith.constant 384 : i32
    %dma_start3A_415 = arith.constant 0 : i32
    %dma_start3A_416 = tpu.memref_slice %arg7[%dma_start3A_414, %dma_start3A_415] : memref<512x128xf32, #tpu.memory_space<vmem>> -> memref<128x128xf32, #tpu.memory_space<vmem>>
    %dma_start3A_417 = arith.constant 0 : i32
    %dma_start3A_418 = tpu.memref_slice %arg6[%dma_start3A_413, %dma_start3A_417] : memref<4x128xi32, #tpu.memory_space<vmem>> -> memref<1x128xi32, #tpu.memory_space<vmem>>
    %dma_start3A_419 = tpu.memref_squeeze %dma_start3A_418 : memref<1x128xi32, #tpu.memory_space<vmem>> -> memref<128xi32, #tpu.memory_space<vmem>>
    %dma_start3A_420 = arith.constant 0 : i32
    %dma_start3A_421 = arith.constant 0 : i32
    %dma_start3A_422 = tpu.memref_slice %arg2[%dma_start3A_420, %dma_start3A_421] : memref<262144x128xf32, #tpu.memory_space<hbm>> -> memref<262144x128xf32, #tpu.memory_space<hbm>>
    tpu.enqueue_indirect_dma source(%dma_start3A_422 : memref<262144x128xf32, #tpu.memory_space<hbm>>) target(%dma_start3A_416 : memref<128x128xf32, #tpu.memory_space<vmem>>) offsets(%dma_start3A_419 : memref<128xi32, #tpu.memory_space<vmem>>) semaphore(%arg8 : memref<!tpu.dma_semaphore, #tpu.memory_space<semaphore_mem>>)
    %dma_wait3A = arith.constant 0 : i32
    %dma_wait3A_423 = arith.constant 0 : i32
    %dma_wait3A_424 = arith.constant 0 : i32
    %dma_wait3A_425 = tpu.memref_slice %arg7[%dma_wait3A_423, %dma_wait3A_424] : memref<512x128xf32, #tpu.memory_space<vmem>> -> memref<128x128xf32, #tpu.memory_space<vmem>>
    %dma_wait3A_426 = arith.constant 0 : i32
    %dma_wait3A_427 = tpu.memref_slice %arg6[%dma_wait3A, %dma_wait3A_426] : memref<4x128xi32, #tpu.memory_space<vmem>> -> memref<1x128xi32, #tpu.memory_space<vmem>>
    %dma_wait3A_428 = tpu.memref_squeeze %dma_wait3A_427 : memref<1x128xi32, #tpu.memory_space<vmem>> -> memref<128xi32, #tpu.memory_space<vmem>>
    %dma_wait3A_429 = arith.constant 0 : i32
    %dma_wait3A_430 = arith.constant 0 : i32
    %dma_wait3A_431 = tpu.memref_slice %arg2[%dma_wait3A_429, %dma_wait3A_430] : memref<262144x128xf32, #tpu.memory_space<hbm>> -> memref<262144x128xf32, #tpu.memory_space<hbm>>
    tpu.wait_indirect_dma semaphore(%arg8 : memref<!tpu.dma_semaphore, #tpu.memory_space<semaphore_mem>>) src(%dma_wait3A_431 : memref<262144x128xf32, #tpu.memory_space<hbm>>) dst(%dma_wait3A_425 : memref<128x128xf32, #tpu.memory_space<vmem>>)
    %dma_wait3A_432 = arith.constant 1 : i32
    %dma_wait3A_433 = arith.constant 128 : i32
    %dma_wait3A_434 = arith.constant 0 : i32
    %dma_wait3A_435 = tpu.memref_slice %arg7[%dma_wait3A_433, %dma_wait3A_434] : memref<512x128xf32, #tpu.memory_space<vmem>> -> memref<128x128xf32, #tpu.memory_space<vmem>>
    %dma_wait3A_436 = arith.constant 0 : i32
    %dma_wait3A_437 = tpu.memref_slice %arg6[%dma_wait3A_432, %dma_wait3A_436] : memref<4x128xi32, #tpu.memory_space<vmem>> -> memref<1x128xi32, #tpu.memory_space<vmem>>
    %dma_wait3A_438 = tpu.memref_squeeze %dma_wait3A_437 : memref<1x128xi32, #tpu.memory_space<vmem>> -> memref<128xi32, #tpu.memory_space<vmem>>
    %dma_wait3A_439 = arith.constant 0 : i32
    %dma_wait3A_440 = arith.constant 0 : i32
    %dma_wait3A_441 = tpu.memref_slice %arg2[%dma_wait3A_439, %dma_wait3A_440] : memref<262144x128xf32, #tpu.memory_space<hbm>> -> memref<262144x128xf32, #tpu.memory_space<hbm>>
    tpu.wait_indirect_dma semaphore(%arg8 : memref<!tpu.dma_semaphore, #tpu.memory_space<semaphore_mem>>) src(%dma_wait3A_441 : memref<262144x128xf32, #tpu.memory_space<hbm>>) dst(%dma_wait3A_435 : memref<128x128xf32, #tpu.memory_space<vmem>>)
    %dma_wait3A_442 = arith.constant 2 : i32
    %dma_wait3A_443 = arith.constant 256 : i32
    %dma_wait3A_444 = arith.constant 0 : i32
    %dma_wait3A_445 = tpu.memref_slice %arg7[%dma_wait3A_443, %dma_wait3A_444] : memref<512x128xf32, #tpu.memory_space<vmem>> -> memref<128x128xf32, #tpu.memory_space<vmem>>
    %dma_wait3A_446 = arith.constant 0 : i32
    %dma_wait3A_447 = tpu.memref_slice %arg6[%dma_wait3A_442, %dma_wait3A_446] : memref<4x128xi32, #tpu.memory_space<vmem>> -> memref<1x128xi32, #tpu.memory_space<vmem>>
    %dma_wait3A_448 = tpu.memref_squeeze %dma_wait3A_447 : memref<1x128xi32, #tpu.memory_space<vmem>> -> memref<128xi32, #tpu.memory_space<vmem>>
    %dma_wait3A_449 = arith.constant 0 : i32
    %dma_wait3A_450 = arith.constant 0 : i32
    %dma_wait3A_451 = tpu.memref_slice %arg2[%dma_wait3A_449, %dma_wait3A_450] : memref<262144x128xf32, #tpu.memory_space<hbm>> -> memref<262144x128xf32, #tpu.memory_space<hbm>>
    tpu.wait_indirect_dma semaphore(%arg8 : memref<!tpu.dma_semaphore, #tpu.memory_space<semaphore_mem>>) src(%dma_wait3A_451 : memref<262144x128xf32, #tpu.memory_space<hbm>>) dst(%dma_wait3A_445 : memref<128x128xf32, #tpu.memory_space<vmem>>)
    %dma_wait3A_452 = arith.constant 3 : i32
    %dma_wait3A_453 = arith.constant 384 : i32
    %dma_wait3A_454 = arith.constant 0 : i32
    %dma_wait3A_455 = tpu.memref_slice %arg7[%dma_wait3A_453, %dma_wait3A_454] : memref<512x128xf32, #tpu.memory_space<vmem>> -> memref<128x128xf32, #tpu.memory_space<vmem>>
    %dma_wait3A_456 = arith.constant 0 : i32
    %dma_wait3A_457 = tpu.memref_slice %arg6[%dma_wait3A_452, %dma_wait3A_456] : memref<4x128xi32, #tpu.memory_space<vmem>> -> memref<1x128xi32, #tpu.memory_space<vmem>>
    %dma_wait3A_458 = tpu.memref_squeeze %dma_wait3A_457 : memref<1x128xi32, #tpu.memory_space<vmem>> -> memref<128xi32, #tpu.memory_space<vmem>>
    %dma_wait3A_459 = arith.constant 0 : i32
    %dma_wait3A_460 = arith.constant 0 : i32
    %dma_wait3A_461 = tpu.memref_slice %arg2[%dma_wait3A_459, %dma_wait3A_460] : memref<262144x128xf32, #tpu.memory_space<hbm>> -> memref<262144x128xf32, #tpu.memory_space<hbm>>
    tpu.wait_indirect_dma semaphore(%arg8 : memref<!tpu.dma_semaphore, #tpu.memory_space<semaphore_mem>>) src(%dma_wait3A_461 : memref<262144x128xf32, #tpu.memory_space<hbm>>) dst(%dma_wait3A_455 : memref<128x128xf32, #tpu.memory_space<vmem>>)
    "tpu.region"() ({
      %run_scoped3A = tpu.sem_alloc : memref<!tpu.dma_semaphore, #tpu.memory_space<semaphore_mem>>
      %dma_start3A_462 = arith.constant 0 : i32
      %dma_start3A_463 = tpu.memref_slice %arg4[%mul3A_2, %dma_start3A_462] : memref<16384x128xf32, #tpu.memory_space<hbm>> -> memref<512x128xf32, #tpu.memory_space<hbm>>
      %dma_start3A_464 = arith.constant 0 : i32
      %dma_start3A_465 = tpu.memref_slice %arg4[%mul3A_2, %dma_start3A_464] : memref<16384x128xf32, #tpu.memory_space<hbm>> -> memref<512x128xf32, #tpu.memory_space<hbm>>
      tpu.enqueue_dma source(%arg7 : memref<512x128xf32, #tpu.memory_space<vmem>>) target(%dma_start3A_465 : memref<512x128xf32, #tpu.memory_space<hbm>>) target_semaphore(%run_scoped3A : memref<!tpu.dma_semaphore, #tpu.memory_space<semaphore_mem>>)
      %dma_wait3A_466 = arith.constant 0 : i32
      %dma_wait3A_467 = tpu.memref_slice %arg4[%mul3A_2, %dma_wait3A_466] : memref<16384x128xf32, #tpu.memory_space<hbm>> -> memref<512x128xf32, #tpu.memory_space<hbm>>
      %dma_wait3A_468 = arith.constant 0 : i32
      %dma_wait3A_469 = tpu.memref_slice %arg4[%mul3A_2, %dma_wait3A_468] : memref<16384x128xf32, #tpu.memory_space<hbm>> -> memref<512x128xf32, #tpu.memory_space<hbm>>
      tpu.wait_dma2 semaphore(%run_scoped3A : memref<!tpu.dma_semaphore, #tpu.memory_space<semaphore_mem>>) src(%arg7 : memref<512x128xf32, #tpu.memory_space<vmem>>) dst(%dma_wait3A_469 : memref<512x128xf32, #tpu.memory_space<hbm>>)
      tpu.yield
    }) : () -> ()
    return
  }
}

#map = affine_map<(d0, d1) -> (0, 0)>
#map1 = affine_map<(d0, d1) -> (0)>
module attributes {stable_mosaic.version = 14 : i64} {
  func.func @_sc_gather_body(%arg0: i32, %arg1: i32, %arg2: memref<32768x128xf32, #tpu.memory_space<hbm>>, %arg3: memref<16384xi32, #tpu.memory_space<hbm>>, %arg4: memref<16384x128xf32, #tpu.memory_space<hbm>>, %arg5: memref<512xi32, #tpu.memory_space<vmem>>, %arg6: memref<4x128xi32, #tpu.memory_space<vmem>>, %arg7: memref<512x128xf32, #tpu.memory_space<vmem>>, %arg8: memref<!tpu.dma_semaphore, #tpu.memory_space<semaphore_mem>>) attributes {dimension_semantics = [#tpu.dimension_semantics<core_parallel>, #tpu.dimension_semantics<subcore_parallel>], iteration_bounds = array<i64: 2, 16>, scalar_prefetch = 0 : i64, scratch_operands = 4 : i64, tpu.core_type = #tpu.core_type<sc_vector_subcore>, window_params = [{transform_indices = #map}, {transform_indices = #map1}, {transform_indices = #map}]} {
    %mul3A = arith.constant 2 : i32
    %mul3A_0 = arith.muli %arg1, %mul3A : i32
    %add3A = arith.addi %mul3A_0, %arg0 : i32
    %mul3A_1 = arith.constant 512 : i32
    %mul3A_2 = arith.muli %add3A, %mul3A_1 : i32
    "tpu.region"() ({
      %run_scoped3A = tpu.sem_alloc : memref<!tpu.dma_semaphore, #tpu.memory_space<semaphore_mem>>
      %dma_start3A_462 = tpu.memref_slice %arg3[%mul3A_2] : memref<16384xi32, #tpu.memory_space<hbm>> -> memref<512xi32, #tpu.memory_space<hbm>>
      %dma_start3A_463 = tpu.memref_slice %arg3[%mul3A_2] : memref<16384xi32, #tpu.memory_space<hbm>> -> memref<512xi32, #tpu.memory_space<hbm>>
      tpu.enqueue_dma source(%dma_start3A_463 : memref<512xi32, #tpu.memory_space<hbm>>) target(%arg5 : memref<512xi32, #tpu.memory_space<vmem>>) target_semaphore(%run_scoped3A : memref<!tpu.dma_semaphore, #tpu.memory_space<semaphore_mem>>)
      %dma_wait3A_464 = tpu.memref_slice %arg3[%mul3A_2] : memref<16384xi32, #tpu.memory_space<hbm>> -> memref<512xi32, #tpu.memory_space<hbm>>
      %dma_wait3A_465 = tpu.memref_slice %arg3[%mul3A_2] : memref<16384xi32, #tpu.memory_space<hbm>> -> memref<512xi32, #tpu.memory_space<hbm>>
      tpu.wait_dma2 semaphore(%run_scoped3A : memref<!tpu.dma_semaphore, #tpu.memory_space<semaphore_mem>>) src(%dma_wait3A_465 : memref<512xi32, #tpu.memory_space<hbm>>) dst(%arg5 : memref<512xi32, #tpu.memory_space<vmem>>)
      tpu.yield
    }) : () -> ()
    %get3A = arith.constant 0 : index
    %get3A_3 = tpu.vector_load %arg5[%get3A] {strides = array<i32>} : memref<512xi32, #tpu.memory_space<vmem>>, vector<16xi32>,
    %get3A_4 = vector.shape_cast %get3A_3 : vector<16xi32> to vector<16xi32>
    %and3A = arith.constant 32767 : i32
    %and3A_5 = vector.broadcast %and3A : i32 to vector<16xi32>
    %and3A_6 = arith.andi %get3A_4, %and3A_5 : vector<16xi32>
    %swap3A = arith.constant 0 : i32
    %swap3A_7 = arith.index_cast %swap3A : i32 to index
    %swap3A_8 = arith.constant 0 : index
    %swap3A_9 = tpu.vector_load %arg6[%swap3A_7, %swap3A_8] {strides = array<i32>} : memref<4x128xi32, #tpu.memory_space<vmem>>, vector<1x16xi32>,
    %swap3A_10 = vector.shape_cast %swap3A_9 : vector<1x16xi32> to vector<16xi32>
    %swap3A_11 = vector.shape_cast %and3A_6 : vector<16xi32> to vector<1x16xi32>
    tpu.vector_store %arg6[%swap3A_7, %swap3A_8], %swap3A_11 {strides = array<i32>} : memref<4x128xi32, #tpu.memory_space<vmem>>, vector<1x16xi32>,
    %get3A_12 = arith.constant 16 : index
    %get3A_13 = tpu.vector_load %arg5[%get3A_12] {strides = array<i32>} : memref<512xi32, #tpu.memory_space<vmem>>, vector<16xi32>,
    %get3A_14 = vector.shape_cast %get3A_13 : vector<16xi32> to vector<16xi32>
    %and3A_15 = arith.constant 32767 : i32
    %and3A_16 = vector.broadcast %and3A_15 : i32 to vector<16xi32>
    %and3A_17 = arith.andi %get3A_14, %and3A_16 : vector<16xi32>
    %swap3A_18 = arith.constant 0 : i32
    %swap3A_19 = arith.index_cast %swap3A_18 : i32 to index
    %swap3A_20 = arith.constant 16 : index
    %swap3A_21 = tpu.vector_load %arg6[%swap3A_19, %swap3A_20] {strides = array<i32>} : memref<4x128xi32, #tpu.memory_space<vmem>>, vector<1x16xi32>,
    %swap3A_22 = vector.shape_cast %swap3A_21 : vector<1x16xi32> to vector<16xi32>
    %swap3A_23 = vector.shape_cast %and3A_17 : vector<16xi32> to vector<1x16xi32>
    tpu.vector_store %arg6[%swap3A_19, %swap3A_20], %swap3A_23 {strides = array<i32>} : memref<4x128xi32, #tpu.memory_space<vmem>>, vector<1x16xi32>,
    %get3A_24 = arith.constant 32 : index
    %get3A_25 = tpu.vector_load %arg5[%get3A_24] {strides = array<i32>} : memref<512xi32, #tpu.memory_space<vmem>>, vector<16xi32>,
    %get3A_26 = vector.shape_cast %get3A_25 : vector<16xi32> to vector<16xi32>
    %and3A_27 = arith.constant 32767 : i32
    %and3A_28 = vector.broadcast %and3A_27 : i32 to vector<16xi32>
    %and3A_29 = arith.andi %get3A_26, %and3A_28 : vector<16xi32>
    %swap3A_30 = arith.constant 0 : i32
    %swap3A_31 = arith.index_cast %swap3A_30 : i32 to index
    %swap3A_32 = arith.constant 32 : index
    %swap3A_33 = tpu.vector_load %arg6[%swap3A_31, %swap3A_32] {strides = array<i32>} : memref<4x128xi32, #tpu.memory_space<vmem>>, vector<1x16xi32>,
    %swap3A_34 = vector.shape_cast %swap3A_33 : vector<1x16xi32> to vector<16xi32>
    %swap3A_35 = vector.shape_cast %and3A_29 : vector<16xi32> to vector<1x16xi32>
    tpu.vector_store %arg6[%swap3A_31, %swap3A_32], %swap3A_35 {strides = array<i32>} : memref<4x128xi32, #tpu.memory_space<vmem>>, vector<1x16xi32>,
    %get3A_36 = arith.constant 48 : index
    %get3A_37 = tpu.vector_load %arg5[%get3A_36] {strides = array<i32>} : memref<512xi32, #tpu.memory_space<vmem>>, vector<16xi32>,
    %get3A_38 = vector.shape_cast %get3A_37 : vector<16xi32> to vector<16xi32>
    %and3A_39 = arith.constant 32767 : i32
    %and3A_40 = vector.broadcast %and3A_39 : i32 to vector<16xi32>
    %and3A_41 = arith.andi %get3A_38, %and3A_40 : vector<16xi32>
    %swap3A_42 = arith.constant 0 : i32
    %swap3A_43 = arith.index_cast %swap3A_42 : i32 to index
    %swap3A_44 = arith.constant 48 : index
    %swap3A_45 = tpu.vector_load %arg6[%swap3A_43, %swap3A_44] {strides = array<i32>} : memref<4x128xi32, #tpu.memory_space<vmem>>, vector<1x16xi32>,
    %swap3A_46 = vector.shape_cast %swap3A_45 : vector<1x16xi32> to vector<16xi32>
    %swap3A_47 = vector.shape_cast %and3A_41 : vector<16xi32> to vector<1x16xi32>
    tpu.vector_store %arg6[%swap3A_43, %swap3A_44], %swap3A_47 {strides = array<i32>} : memref<4x128xi32, #tpu.memory_space<vmem>>, vector<1x16xi32>,
    %get3A_48 = arith.constant 64 : index
    %get3A_49 = tpu.vector_load %arg5[%get3A_48] {strides = array<i32>} : memref<512xi32, #tpu.memory_space<vmem>>, vector<16xi32>,
    %get3A_50 = vector.shape_cast %get3A_49 : vector<16xi32> to vector<16xi32>
    %and3A_51 = arith.constant 32767 : i32
    %and3A_52 = vector.broadcast %and3A_51 : i32 to vector<16xi32>
    %and3A_53 = arith.andi %get3A_50, %and3A_52 : vector<16xi32>
    %swap3A_54 = arith.constant 0 : i32
    %swap3A_55 = arith.index_cast %swap3A_54 : i32 to index
    %swap3A_56 = arith.constant 64 : index
    %swap3A_57 = tpu.vector_load %arg6[%swap3A_55, %swap3A_56] {strides = array<i32>} : memref<4x128xi32, #tpu.memory_space<vmem>>, vector<1x16xi32>,
    %swap3A_58 = vector.shape_cast %swap3A_57 : vector<1x16xi32> to vector<16xi32>
    %swap3A_59 = vector.shape_cast %and3A_53 : vector<16xi32> to vector<1x16xi32>
    tpu.vector_store %arg6[%swap3A_55, %swap3A_56], %swap3A_59 {strides = array<i32>} : memref<4x128xi32, #tpu.memory_space<vmem>>, vector<1x16xi32>,
    %get3A_60 = arith.constant 80 : index
    %get3A_61 = tpu.vector_load %arg5[%get3A_60] {strides = array<i32>} : memref<512xi32, #tpu.memory_space<vmem>>, vector<16xi32>,
    %get3A_62 = vector.shape_cast %get3A_61 : vector<16xi32> to vector<16xi32>
    %and3A_63 = arith.constant 32767 : i32
    %and3A_64 = vector.broadcast %and3A_63 : i32 to vector<16xi32>
    %and3A_65 = arith.andi %get3A_62, %and3A_64 : vector<16xi32>
    %swap3A_66 = arith.constant 0 : i32
    %swap3A_67 = arith.index_cast %swap3A_66 : i32 to index
    %swap3A_68 = arith.constant 80 : index
    %swap3A_69 = tpu.vector_load %arg6[%swap3A_67, %swap3A_68] {strides = array<i32>} : memref<4x128xi32, #tpu.memory_space<vmem>>, vector<1x16xi32>,
    %swap3A_70 = vector.shape_cast %swap3A_69 : vector<1x16xi32> to vector<16xi32>
    %swap3A_71 = vector.shape_cast %and3A_65 : vector<16xi32> to vector<1x16xi32>
    tpu.vector_store %arg6[%swap3A_67, %swap3A_68], %swap3A_71 {strides = array<i32>} : memref<4x128xi32, #tpu.memory_space<vmem>>, vector<1x16xi32>,
    %get3A_72 = arith.constant 96 : index
    %get3A_73 = tpu.vector_load %arg5[%get3A_72] {strides = array<i32>} : memref<512xi32, #tpu.memory_space<vmem>>, vector<16xi32>,
    %get3A_74 = vector.shape_cast %get3A_73 : vector<16xi32> to vector<16xi32>
    %and3A_75 = arith.constant 32767 : i32
    %and3A_76 = vector.broadcast %and3A_75 : i32 to vector<16xi32>
    %and3A_77 = arith.andi %get3A_74, %and3A_76 : vector<16xi32>
    %swap3A_78 = arith.constant 0 : i32
    %swap3A_79 = arith.index_cast %swap3A_78 : i32 to index
    %swap3A_80 = arith.constant 96 : index
    %swap3A_81 = tpu.vector_load %arg6[%swap3A_79, %swap3A_80] {strides = array<i32>} : memref<4x128xi32, #tpu.memory_space<vmem>>, vector<1x16xi32>,
    %swap3A_82 = vector.shape_cast %swap3A_81 : vector<1x16xi32> to vector<16xi32>
    %swap3A_83 = vector.shape_cast %and3A_77 : vector<16xi32> to vector<1x16xi32>
    tpu.vector_store %arg6[%swap3A_79, %swap3A_80], %swap3A_83 {strides = array<i32>} : memref<4x128xi32, #tpu.memory_space<vmem>>, vector<1x16xi32>,
    %get3A_84 = arith.constant 112 : index
    %get3A_85 = tpu.vector_load %arg5[%get3A_84] {strides = array<i32>} : memref<512xi32, #tpu.memory_space<vmem>>, vector<16xi32>,
    %get3A_86 = vector.shape_cast %get3A_85 : vector<16xi32> to vector<16xi32>
    %and3A_87 = arith.constant 32767 : i32
    %and3A_88 = vector.broadcast %and3A_87 : i32 to vector<16xi32>
    %and3A_89 = arith.andi %get3A_86, %and3A_88 : vector<16xi32>
    %swap3A_90 = arith.constant 0 : i32
    %swap3A_91 = arith.index_cast %swap3A_90 : i32 to index
    %swap3A_92 = arith.constant 112 : index
    %swap3A_93 = tpu.vector_load %arg6[%swap3A_91, %swap3A_92] {strides = array<i32>} : memref<4x128xi32, #tpu.memory_space<vmem>>, vector<1x16xi32>,
    %swap3A_94 = vector.shape_cast %swap3A_93 : vector<1x16xi32> to vector<16xi32>
    %swap3A_95 = vector.shape_cast %and3A_89 : vector<16xi32> to vector<1x16xi32>
    tpu.vector_store %arg6[%swap3A_91, %swap3A_92], %swap3A_95 {strides = array<i32>} : memref<4x128xi32, #tpu.memory_space<vmem>>, vector<1x16xi32>,
    %get3A_96 = arith.constant 128 : index
    %get3A_97 = tpu.vector_load %arg5[%get3A_96] {strides = array<i32>} : memref<512xi32, #tpu.memory_space<vmem>>, vector<16xi32>,
    %get3A_98 = vector.shape_cast %get3A_97 : vector<16xi32> to vector<16xi32>
    %and3A_99 = arith.constant 32767 : i32
    %and3A_100 = vector.broadcast %and3A_99 : i32 to vector<16xi32>
    %and3A_101 = arith.andi %get3A_98, %and3A_100 : vector<16xi32>
    %swap3A_102 = arith.constant 1 : i32
    %swap3A_103 = arith.index_cast %swap3A_102 : i32 to index
    %swap3A_104 = arith.constant 0 : index
    %swap3A_105 = tpu.vector_load %arg6[%swap3A_103, %swap3A_104] {strides = array<i32>} : memref<4x128xi32, #tpu.memory_space<vmem>>, vector<1x16xi32>,
    %swap3A_106 = vector.shape_cast %swap3A_105 : vector<1x16xi32> to vector<16xi32>
    %swap3A_107 = vector.shape_cast %and3A_101 : vector<16xi32> to vector<1x16xi32>
    tpu.vector_store %arg6[%swap3A_103, %swap3A_104], %swap3A_107 {strides = array<i32>} : memref<4x128xi32, #tpu.memory_space<vmem>>, vector<1x16xi32>,
    %get3A_108 = arith.constant 144 : index
    %get3A_109 = tpu.vector_load %arg5[%get3A_108] {strides = array<i32>} : memref<512xi32, #tpu.memory_space<vmem>>, vector<16xi32>,
    %get3A_110 = vector.shape_cast %get3A_109 : vector<16xi32> to vector<16xi32>
    %and3A_111 = arith.constant 32767 : i32
    %and3A_112 = vector.broadcast %and3A_111 : i32 to vector<16xi32>
    %and3A_113 = arith.andi %get3A_110, %and3A_112 : vector<16xi32>
    %swap3A_114 = arith.constant 1 : i32
    %swap3A_115 = arith.index_cast %swap3A_114 : i32 to index
    %swap3A_116 = arith.constant 16 : index
    %swap3A_117 = tpu.vector_load %arg6[%swap3A_115, %swap3A_116] {strides = array<i32>} : memref<4x128xi32, #tpu.memory_space<vmem>>, vector<1x16xi32>,
    %swap3A_118 = vector.shape_cast %swap3A_117 : vector<1x16xi32> to vector<16xi32>
    %swap3A_119 = vector.shape_cast %and3A_113 : vector<16xi32> to vector<1x16xi32>
    tpu.vector_store %arg6[%swap3A_115, %swap3A_116], %swap3A_119 {strides = array<i32>} : memref<4x128xi32, #tpu.memory_space<vmem>>, vector<1x16xi32>,
    %get3A_120 = arith.constant 160 : index
    %get3A_121 = tpu.vector_load %arg5[%get3A_120] {strides = array<i32>} : memref<512xi32, #tpu.memory_space<vmem>>, vector<16xi32>,
    %get3A_122 = vector.shape_cast %get3A_121 : vector<16xi32> to vector<16xi32>
    %and3A_123 = arith.constant 32767 : i32
    %and3A_124 = vector.broadcast %and3A_123 : i32 to vector<16xi32>
    %and3A_125 = arith.andi %get3A_122, %and3A_124 : vector<16xi32>
    %swap3A_126 = arith.constant 1 : i32
    %swap3A_127 = arith.index_cast %swap3A_126 : i32 to index
    %swap3A_128 = arith.constant 32 : index
    %swap3A_129 = tpu.vector_load %arg6[%swap3A_127, %swap3A_128] {strides = array<i32>} : memref<4x128xi32, #tpu.memory_space<vmem>>, vector<1x16xi32>,
    %swap3A_130 = vector.shape_cast %swap3A_129 : vector<1x16xi32> to vector<16xi32>
    %swap3A_131 = vector.shape_cast %and3A_125 : vector<16xi32> to vector<1x16xi32>
    tpu.vector_store %arg6[%swap3A_127, %swap3A_128], %swap3A_131 {strides = array<i32>} : memref<4x128xi32, #tpu.memory_space<vmem>>, vector<1x16xi32>,
    %get3A_132 = arith.constant 176 : index
    %get3A_133 = tpu.vector_load %arg5[%get3A_132] {strides = array<i32>} : memref<512xi32, #tpu.memory_space<vmem>>, vector<16xi32>,
    %get3A_134 = vector.shape_cast %get3A_133 : vector<16xi32> to vector<16xi32>
    %and3A_135 = arith.constant 32767 : i32
    %and3A_136 = vector.broadcast %and3A_135 : i32 to vector<16xi32>
    %and3A_137 = arith.andi %get3A_134, %and3A_136 : vector<16xi32>
    %swap3A_138 = arith.constant 1 : i32
    %swap3A_139 = arith.index_cast %swap3A_138 : i32 to index
    %swap3A_140 = arith.constant 48 : index
    %swap3A_141 = tpu.vector_load %arg6[%swap3A_139, %swap3A_140] {strides = array<i32>} : memref<4x128xi32, #tpu.memory_space<vmem>>, vector<1x16xi32>,
    %swap3A_142 = vector.shape_cast %swap3A_141 : vector<1x16xi32> to vector<16xi32>
    %swap3A_143 = vector.shape_cast %and3A_137 : vector<16xi32> to vector<1x16xi32>
    tpu.vector_store %arg6[%swap3A_139, %swap3A_140], %swap3A_143 {strides = array<i32>} : memref<4x128xi32, #tpu.memory_space<vmem>>, vector<1x16xi32>,
    %get3A_144 = arith.constant 192 : index
    %get3A_145 = tpu.vector_load %arg5[%get3A_144] {strides = array<i32>} : memref<512xi32, #tpu.memory_space<vmem>>, vector<16xi32>,
    %get3A_146 = vector.shape_cast %get3A_145 : vector<16xi32> to vector<16xi32>
    %and3A_147 = arith.constant 32767 : i32
    %and3A_148 = vector.broadcast %and3A_147 : i32 to vector<16xi32>
    %and3A_149 = arith.andi %get3A_146, %and3A_148 : vector<16xi32>
    %swap3A_150 = arith.constant 1 : i32
    %swap3A_151 = arith.index_cast %swap3A_150 : i32 to index
    %swap3A_152 = arith.constant 64 : index
    %swap3A_153 = tpu.vector_load %arg6[%swap3A_151, %swap3A_152] {strides = array<i32>} : memref<4x128xi32, #tpu.memory_space<vmem>>, vector<1x16xi32>,
    %swap3A_154 = vector.shape_cast %swap3A_153 : vector<1x16xi32> to vector<16xi32>
    %swap3A_155 = vector.shape_cast %and3A_149 : vector<16xi32> to vector<1x16xi32>
    tpu.vector_store %arg6[%swap3A_151, %swap3A_152], %swap3A_155 {strides = array<i32>} : memref<4x128xi32, #tpu.memory_space<vmem>>, vector<1x16xi32>,
    %get3A_156 = arith.constant 208 : index
    %get3A_157 = tpu.vector_load %arg5[%get3A_156] {strides = array<i32>} : memref<512xi32, #tpu.memory_space<vmem>>, vector<16xi32>,
    %get3A_158 = vector.shape_cast %get3A_157 : vector<16xi32> to vector<16xi32>
    %and3A_159 = arith.constant 32767 : i32
    %and3A_160 = vector.broadcast %and3A_159 : i32 to vector<16xi32>
    %and3A_161 = arith.andi %get3A_158, %and3A_160 : vector<16xi32>
    %swap3A_162 = arith.constant 1 : i32
    %swap3A_163 = arith.index_cast %swap3A_162 : i32 to index
    %swap3A_164 = arith.constant 80 : index
    %swap3A_165 = tpu.vector_load %arg6[%swap3A_163, %swap3A_164] {strides = array<i32>} : memref<4x128xi32, #tpu.memory_space<vmem>>, vector<1x16xi32>,
    %swap3A_166 = vector.shape_cast %swap3A_165 : vector<1x16xi32> to vector<16xi32>
    %swap3A_167 = vector.shape_cast %and3A_161 : vector<16xi32> to vector<1x16xi32>
    tpu.vector_store %arg6[%swap3A_163, %swap3A_164], %swap3A_167 {strides = array<i32>} : memref<4x128xi32, #tpu.memory_space<vmem>>, vector<1x16xi32>,
    %get3A_168 = arith.constant 224 : index
    %get3A_169 = tpu.vector_load %arg5[%get3A_168] {strides = array<i32>} : memref<512xi32, #tpu.memory_space<vmem>>, vector<16xi32>,
    %get3A_170 = vector.shape_cast %get3A_169 : vector<16xi32> to vector<16xi32>
    %and3A_171 = arith.constant 32767 : i32
    %and3A_172 = vector.broadcast %and3A_171 : i32 to vector<16xi32>
    %and3A_173 = arith.andi %get3A_170, %and3A_172 : vector<16xi32>
    %swap3A_174 = arith.constant 1 : i32
    %swap3A_175 = arith.index_cast %swap3A_174 : i32 to index
    %swap3A_176 = arith.constant 96 : index
    %swap3A_177 = tpu.vector_load %arg6[%swap3A_175, %swap3A_176] {strides = array<i32>} : memref<4x128xi32, #tpu.memory_space<vmem>>, vector<1x16xi32>,
    %swap3A_178 = vector.shape_cast %swap3A_177 : vector<1x16xi32> to vector<16xi32>
    %swap3A_179 = vector.shape_cast %and3A_173 : vector<16xi32> to vector<1x16xi32>
    tpu.vector_store %arg6[%swap3A_175, %swap3A_176], %swap3A_179 {strides = array<i32>} : memref<4x128xi32, #tpu.memory_space<vmem>>, vector<1x16xi32>,
    %get3A_180 = arith.constant 240 : index
    %get3A_181 = tpu.vector_load %arg5[%get3A_180] {strides = array<i32>} : memref<512xi32, #tpu.memory_space<vmem>>, vector<16xi32>,
    %get3A_182 = vector.shape_cast %get3A_181 : vector<16xi32> to vector<16xi32>
    %and3A_183 = arith.constant 32767 : i32
    %and3A_184 = vector.broadcast %and3A_183 : i32 to vector<16xi32>
    %and3A_185 = arith.andi %get3A_182, %and3A_184 : vector<16xi32>
    %swap3A_186 = arith.constant 1 : i32
    %swap3A_187 = arith.index_cast %swap3A_186 : i32 to index
    %swap3A_188 = arith.constant 112 : index
    %swap3A_189 = tpu.vector_load %arg6[%swap3A_187, %swap3A_188] {strides = array<i32>} : memref<4x128xi32, #tpu.memory_space<vmem>>, vector<1x16xi32>,
    %swap3A_190 = vector.shape_cast %swap3A_189 : vector<1x16xi32> to vector<16xi32>
    %swap3A_191 = vector.shape_cast %and3A_185 : vector<16xi32> to vector<1x16xi32>
    tpu.vector_store %arg6[%swap3A_187, %swap3A_188], %swap3A_191 {strides = array<i32>} : memref<4x128xi32, #tpu.memory_space<vmem>>, vector<1x16xi32>,
    %get3A_192 = arith.constant 256 : index
    %get3A_193 = tpu.vector_load %arg5[%get3A_192] {strides = array<i32>} : memref<512xi32, #tpu.memory_space<vmem>>, vector<16xi32>,
    %get3A_194 = vector.shape_cast %get3A_193 : vector<16xi32> to vector<16xi32>
    %and3A_195 = arith.constant 32767 : i32
    %and3A_196 = vector.broadcast %and3A_195 : i32 to vector<16xi32>
    %and3A_197 = arith.andi %get3A_194, %and3A_196 : vector<16xi32>
    %swap3A_198 = arith.constant 2 : i32
    %swap3A_199 = arith.index_cast %swap3A_198 : i32 to index
    %swap3A_200 = arith.constant 0 : index
    %swap3A_201 = tpu.vector_load %arg6[%swap3A_199, %swap3A_200] {strides = array<i32>} : memref<4x128xi32, #tpu.memory_space<vmem>>, vector<1x16xi32>,
    %swap3A_202 = vector.shape_cast %swap3A_201 : vector<1x16xi32> to vector<16xi32>
    %swap3A_203 = vector.shape_cast %and3A_197 : vector<16xi32> to vector<1x16xi32>
    tpu.vector_store %arg6[%swap3A_199, %swap3A_200], %swap3A_203 {strides = array<i32>} : memref<4x128xi32, #tpu.memory_space<vmem>>, vector<1x16xi32>,
    %get3A_204 = arith.constant 272 : index
    %get3A_205 = tpu.vector_load %arg5[%get3A_204] {strides = array<i32>} : memref<512xi32, #tpu.memory_space<vmem>>, vector<16xi32>,
    %get3A_206 = vector.shape_cast %get3A_205 : vector<16xi32> to vector<16xi32>
    %and3A_207 = arith.constant 32767 : i32
    %and3A_208 = vector.broadcast %and3A_207 : i32 to vector<16xi32>
    %and3A_209 = arith.andi %get3A_206, %and3A_208 : vector<16xi32>
    %swap3A_210 = arith.constant 2 : i32
    %swap3A_211 = arith.index_cast %swap3A_210 : i32 to index
    %swap3A_212 = arith.constant 16 : index
    %swap3A_213 = tpu.vector_load %arg6[%swap3A_211, %swap3A_212] {strides = array<i32>} : memref<4x128xi32, #tpu.memory_space<vmem>>, vector<1x16xi32>,
    %swap3A_214 = vector.shape_cast %swap3A_213 : vector<1x16xi32> to vector<16xi32>
    %swap3A_215 = vector.shape_cast %and3A_209 : vector<16xi32> to vector<1x16xi32>
    tpu.vector_store %arg6[%swap3A_211, %swap3A_212], %swap3A_215 {strides = array<i32>} : memref<4x128xi32, #tpu.memory_space<vmem>>, vector<1x16xi32>,
    %get3A_216 = arith.constant 288 : index
    %get3A_217 = tpu.vector_load %arg5[%get3A_216] {strides = array<i32>} : memref<512xi32, #tpu.memory_space<vmem>>, vector<16xi32>,
    %get3A_218 = vector.shape_cast %get3A_217 : vector<16xi32> to vector<16xi32>
    %and3A_219 = arith.constant 32767 : i32
    %and3A_220 = vector.broadcast %and3A_219 : i32 to vector<16xi32>
    %and3A_221 = arith.andi %get3A_218, %and3A_220 : vector<16xi32>
    %swap3A_222 = arith.constant 2 : i32
    %swap3A_223 = arith.index_cast %swap3A_222 : i32 to index
    %swap3A_224 = arith.constant 32 : index
    %swap3A_225 = tpu.vector_load %arg6[%swap3A_223, %swap3A_224] {strides = array<i32>} : memref<4x128xi32, #tpu.memory_space<vmem>>, vector<1x16xi32>,
    %swap3A_226 = vector.shape_cast %swap3A_225 : vector<1x16xi32> to vector<16xi32>
    %swap3A_227 = vector.shape_cast %and3A_221 : vector<16xi32> to vector<1x16xi32>
    tpu.vector_store %arg6[%swap3A_223, %swap3A_224], %swap3A_227 {strides = array<i32>} : memref<4x128xi32, #tpu.memory_space<vmem>>, vector<1x16xi32>,
    %get3A_228 = arith.constant 304 : index
    %get3A_229 = tpu.vector_load %arg5[%get3A_228] {strides = array<i32>} : memref<512xi32, #tpu.memory_space<vmem>>, vector<16xi32>,
    %get3A_230 = vector.shape_cast %get3A_229 : vector<16xi32> to vector<16xi32>
    %and3A_231 = arith.constant 32767 : i32
    %and3A_232 = vector.broadcast %and3A_231 : i32 to vector<16xi32>
    %and3A_233 = arith.andi %get3A_230, %and3A_232 : vector<16xi32>
    %swap3A_234 = arith.constant 2 : i32
    %swap3A_235 = arith.index_cast %swap3A_234 : i32 to index
    %swap3A_236 = arith.constant 48 : index
    %swap3A_237 = tpu.vector_load %arg6[%swap3A_235, %swap3A_236] {strides = array<i32>} : memref<4x128xi32, #tpu.memory_space<vmem>>, vector<1x16xi32>,
    %swap3A_238 = vector.shape_cast %swap3A_237 : vector<1x16xi32> to vector<16xi32>
    %swap3A_239 = vector.shape_cast %and3A_233 : vector<16xi32> to vector<1x16xi32>
    tpu.vector_store %arg6[%swap3A_235, %swap3A_236], %swap3A_239 {strides = array<i32>} : memref<4x128xi32, #tpu.memory_space<vmem>>, vector<1x16xi32>,
    %get3A_240 = arith.constant 320 : index
    %get3A_241 = tpu.vector_load %arg5[%get3A_240] {strides = array<i32>} : memref<512xi32, #tpu.memory_space<vmem>>, vector<16xi32>,
    %get3A_242 = vector.shape_cast %get3A_241 : vector<16xi32> to vector<16xi32>
    %and3A_243 = arith.constant 32767 : i32
    %and3A_244 = vector.broadcast %and3A_243 : i32 to vector<16xi32>
    %and3A_245 = arith.andi %get3A_242, %and3A_244 : vector<16xi32>
    %swap3A_246 = arith.constant 2 : i32
    %swap3A_247 = arith.index_cast %swap3A_246 : i32 to index
    %swap3A_248 = arith.constant 64 : index
    %swap3A_249 = tpu.vector_load %arg6[%swap3A_247, %swap3A_248] {strides = array<i32>} : memref<4x128xi32, #tpu.memory_space<vmem>>, vector<1x16xi32>,
    %swap3A_250 = vector.shape_cast %swap3A_249 : vector<1x16xi32> to vector<16xi32>
    %swap3A_251 = vector.shape_cast %and3A_245 : vector<16xi32> to vector<1x16xi32>
    tpu.vector_store %arg6[%swap3A_247, %swap3A_248], %swap3A_251 {strides = array<i32>} : memref<4x128xi32, #tpu.memory_space<vmem>>, vector<1x16xi32>,
    %get3A_252 = arith.constant 336 : index
    %get3A_253 = tpu.vector_load %arg5[%get3A_252] {strides = array<i32>} : memref<512xi32, #tpu.memory_space<vmem>>, vector<16xi32>,
    %get3A_254 = vector.shape_cast %get3A_253 : vector<16xi32> to vector<16xi32>
    %and3A_255 = arith.constant 32767 : i32
    %and3A_256 = vector.broadcast %and3A_255 : i32 to vector<16xi32>
    %and3A_257 = arith.andi %get3A_254, %and3A_256 : vector<16xi32>
    %swap3A_258 = arith.constant 2 : i32
    %swap3A_259 = arith.index_cast %swap3A_258 : i32 to index
    %swap3A_260 = arith.constant 80 : index
    %swap3A_261 = tpu.vector_load %arg6[%swap3A_259, %swap3A_260] {strides = array<i32>} : memref<4x128xi32, #tpu.memory_space<vmem>>, vector<1x16xi32>,
    %swap3A_262 = vector.shape_cast %swap3A_261 : vector<1x16xi32> to vector<16xi32>
    %swap3A_263 = vector.shape_cast %and3A_257 : vector<16xi32> to vector<1x16xi32>
    tpu.vector_store %arg6[%swap3A_259, %swap3A_260], %swap3A_263 {strides = array<i32>} : memref<4x128xi32, #tpu.memory_space<vmem>>, vector<1x16xi32>,
    %get3A_264 = arith.constant 352 : index
    %get3A_265 = tpu.vector_load %arg5[%get3A_264] {strides = array<i32>} : memref<512xi32, #tpu.memory_space<vmem>>, vector<16xi32>,
    %get3A_266 = vector.shape_cast %get3A_265 : vector<16xi32> to vector<16xi32>
    %and3A_267 = arith.constant 32767 : i32
    %and3A_268 = vector.broadcast %and3A_267 : i32 to vector<16xi32>
    %and3A_269 = arith.andi %get3A_266, %and3A_268 : vector<16xi32>
    %swap3A_270 = arith.constant 2 : i32
    %swap3A_271 = arith.index_cast %swap3A_270 : i32 to index
    %swap3A_272 = arith.constant 96 : index
    %swap3A_273 = tpu.vector_load %arg6[%swap3A_271, %swap3A_272] {strides = array<i32>} : memref<4x128xi32, #tpu.memory_space<vmem>>, vector<1x16xi32>,
    %swap3A_274 = vector.shape_cast %swap3A_273 : vector<1x16xi32> to vector<16xi32>
    %swap3A_275 = vector.shape_cast %and3A_269 : vector<16xi32> to vector<1x16xi32>
    tpu.vector_store %arg6[%swap3A_271, %swap3A_272], %swap3A_275 {strides = array<i32>} : memref<4x128xi32, #tpu.memory_space<vmem>>, vector<1x16xi32>,
    %get3A_276 = arith.constant 368 : index
    %get3A_277 = tpu.vector_load %arg5[%get3A_276] {strides = array<i32>} : memref<512xi32, #tpu.memory_space<vmem>>, vector<16xi32>,
    %get3A_278 = vector.shape_cast %get3A_277 : vector<16xi32> to vector<16xi32>
    %and3A_279 = arith.constant 32767 : i32
    %and3A_280 = vector.broadcast %and3A_279 : i32 to vector<16xi32>
    %and3A_281 = arith.andi %get3A_278, %and3A_280 : vector<16xi32>
    %swap3A_282 = arith.constant 2 : i32
    %swap3A_283 = arith.index_cast %swap3A_282 : i32 to index
    %swap3A_284 = arith.constant 112 : index
    %swap3A_285 = tpu.vector_load %arg6[%swap3A_283, %swap3A_284] {strides = array<i32>} : memref<4x128xi32, #tpu.memory_space<vmem>>, vector<1x16xi32>,
    %swap3A_286 = vector.shape_cast %swap3A_285 : vector<1x16xi32> to vector<16xi32>
    %swap3A_287 = vector.shape_cast %and3A_281 : vector<16xi32> to vector<1x16xi32>
    tpu.vector_store %arg6[%swap3A_283, %swap3A_284], %swap3A_287 {strides = array<i32>} : memref<4x128xi32, #tpu.memory_space<vmem>>, vector<1x16xi32>,
    %get3A_288 = arith.constant 384 : index
    %get3A_289 = tpu.vector_load %arg5[%get3A_288] {strides = array<i32>} : memref<512xi32, #tpu.memory_space<vmem>>, vector<16xi32>,
    %get3A_290 = vector.shape_cast %get3A_289 : vector<16xi32> to vector<16xi32>
    %and3A_291 = arith.constant 32767 : i32
    %and3A_292 = vector.broadcast %and3A_291 : i32 to vector<16xi32>
    %and3A_293 = arith.andi %get3A_290, %and3A_292 : vector<16xi32>
    %swap3A_294 = arith.constant 3 : i32
    %swap3A_295 = arith.index_cast %swap3A_294 : i32 to index
    %swap3A_296 = arith.constant 0 : index
    %swap3A_297 = tpu.vector_load %arg6[%swap3A_295, %swap3A_296] {strides = array<i32>} : memref<4x128xi32, #tpu.memory_space<vmem>>, vector<1x16xi32>,
    %swap3A_298 = vector.shape_cast %swap3A_297 : vector<1x16xi32> to vector<16xi32>
    %swap3A_299 = vector.shape_cast %and3A_293 : vector<16xi32> to vector<1x16xi32>
    tpu.vector_store %arg6[%swap3A_295, %swap3A_296], %swap3A_299 {strides = array<i32>} : memref<4x128xi32, #tpu.memory_space<vmem>>, vector<1x16xi32>,
    %get3A_300 = arith.constant 400 : index
    %get3A_301 = tpu.vector_load %arg5[%get3A_300] {strides = array<i32>} : memref<512xi32, #tpu.memory_space<vmem>>, vector<16xi32>,
    %get3A_302 = vector.shape_cast %get3A_301 : vector<16xi32> to vector<16xi32>
    %and3A_303 = arith.constant 32767 : i32
    %and3A_304 = vector.broadcast %and3A_303 : i32 to vector<16xi32>
    %and3A_305 = arith.andi %get3A_302, %and3A_304 : vector<16xi32>
    %swap3A_306 = arith.constant 3 : i32
    %swap3A_307 = arith.index_cast %swap3A_306 : i32 to index
    %swap3A_308 = arith.constant 16 : index
    %swap3A_309 = tpu.vector_load %arg6[%swap3A_307, %swap3A_308] {strides = array<i32>} : memref<4x128xi32, #tpu.memory_space<vmem>>, vector<1x16xi32>,
    %swap3A_310 = vector.shape_cast %swap3A_309 : vector<1x16xi32> to vector<16xi32>
    %swap3A_311 = vector.shape_cast %and3A_305 : vector<16xi32> to vector<1x16xi32>
    tpu.vector_store %arg6[%swap3A_307, %swap3A_308], %swap3A_311 {strides = array<i32>} : memref<4x128xi32, #tpu.memory_space<vmem>>, vector<1x16xi32>,
    %get3A_312 = arith.constant 416 : index
    %get3A_313 = tpu.vector_load %arg5[%get3A_312] {strides = array<i32>} : memref<512xi32, #tpu.memory_space<vmem>>, vector<16xi32>,
    %get3A_314 = vector.shape_cast %get3A_313 : vector<16xi32> to vector<16xi32>
    %and3A_315 = arith.constant 32767 : i32
    %and3A_316 = vector.broadcast %and3A_315 : i32 to vector<16xi32>
    %and3A_317 = arith.andi %get3A_314, %and3A_316 : vector<16xi32>
    %swap3A_318 = arith.constant 3 : i32
    %swap3A_319 = arith.index_cast %swap3A_318 : i32 to index
    %swap3A_320 = arith.constant 32 : index
    %swap3A_321 = tpu.vector_load %arg6[%swap3A_319, %swap3A_320] {strides = array<i32>} : memref<4x128xi32, #tpu.memory_space<vmem>>, vector<1x16xi32>,
    %swap3A_322 = vector.shape_cast %swap3A_321 : vector<1x16xi32> to vector<16xi32>
    %swap3A_323 = vector.shape_cast %and3A_317 : vector<16xi32> to vector<1x16xi32>
    tpu.vector_store %arg6[%swap3A_319, %swap3A_320], %swap3A_323 {strides = array<i32>} : memref<4x128xi32, #tpu.memory_space<vmem>>, vector<1x16xi32>,
    %get3A_324 = arith.constant 432 : index
    %get3A_325 = tpu.vector_load %arg5[%get3A_324] {strides = array<i32>} : memref<512xi32, #tpu.memory_space<vmem>>, vector<16xi32>,
    %get3A_326 = vector.shape_cast %get3A_325 : vector<16xi32> to vector<16xi32>
    %and3A_327 = arith.constant 32767 : i32
    %and3A_328 = vector.broadcast %and3A_327 : i32 to vector<16xi32>
    %and3A_329 = arith.andi %get3A_326, %and3A_328 : vector<16xi32>
    %swap3A_330 = arith.constant 3 : i32
    %swap3A_331 = arith.index_cast %swap3A_330 : i32 to index
    %swap3A_332 = arith.constant 48 : index
    %swap3A_333 = tpu.vector_load %arg6[%swap3A_331, %swap3A_332] {strides = array<i32>} : memref<4x128xi32, #tpu.memory_space<vmem>>, vector<1x16xi32>,
    %swap3A_334 = vector.shape_cast %swap3A_333 : vector<1x16xi32> to vector<16xi32>
    %swap3A_335 = vector.shape_cast %and3A_329 : vector<16xi32> to vector<1x16xi32>
    tpu.vector_store %arg6[%swap3A_331, %swap3A_332], %swap3A_335 {strides = array<i32>} : memref<4x128xi32, #tpu.memory_space<vmem>>, vector<1x16xi32>,
    %get3A_336 = arith.constant 448 : index
    %get3A_337 = tpu.vector_load %arg5[%get3A_336] {strides = array<i32>} : memref<512xi32, #tpu.memory_space<vmem>>, vector<16xi32>,
    %get3A_338 = vector.shape_cast %get3A_337 : vector<16xi32> to vector<16xi32>
    %and3A_339 = arith.constant 32767 : i32
    %and3A_340 = vector.broadcast %and3A_339 : i32 to vector<16xi32>
    %and3A_341 = arith.andi %get3A_338, %and3A_340 : vector<16xi32>
    %swap3A_342 = arith.constant 3 : i32
    %swap3A_343 = arith.index_cast %swap3A_342 : i32 to index
    %swap3A_344 = arith.constant 64 : index
    %swap3A_345 = tpu.vector_load %arg6[%swap3A_343, %swap3A_344] {strides = array<i32>} : memref<4x128xi32, #tpu.memory_space<vmem>>, vector<1x16xi32>,
    %swap3A_346 = vector.shape_cast %swap3A_345 : vector<1x16xi32> to vector<16xi32>
    %swap3A_347 = vector.shape_cast %and3A_341 : vector<16xi32> to vector<1x16xi32>
    tpu.vector_store %arg6[%swap3A_343, %swap3A_344], %swap3A_347 {strides = array<i32>} : memref<4x128xi32, #tpu.memory_space<vmem>>, vector<1x16xi32>,
    %get3A_348 = arith.constant 464 : index
    %get3A_349 = tpu.vector_load %arg5[%get3A_348] {strides = array<i32>} : memref<512xi32, #tpu.memory_space<vmem>>, vector<16xi32>,
    %get3A_350 = vector.shape_cast %get3A_349 : vector<16xi32> to vector<16xi32>
    %and3A_351 = arith.constant 32767 : i32
    %and3A_352 = vector.broadcast %and3A_351 : i32 to vector<16xi32>
    %and3A_353 = arith.andi %get3A_350, %and3A_352 : vector<16xi32>
    %swap3A_354 = arith.constant 3 : i32
    %swap3A_355 = arith.index_cast %swap3A_354 : i32 to index
    %swap3A_356 = arith.constant 80 : index
    %swap3A_357 = tpu.vector_load %arg6[%swap3A_355, %swap3A_356] {strides = array<i32>} : memref<4x128xi32, #tpu.memory_space<vmem>>, vector<1x16xi32>,
    %swap3A_358 = vector.shape_cast %swap3A_357 : vector<1x16xi32> to vector<16xi32>
    %swap3A_359 = vector.shape_cast %and3A_353 : vector<16xi32> to vector<1x16xi32>
    tpu.vector_store %arg6[%swap3A_355, %swap3A_356], %swap3A_359 {strides = array<i32>} : memref<4x128xi32, #tpu.memory_space<vmem>>, vector<1x16xi32>,
    %get3A_360 = arith.constant 480 : index
    %get3A_361 = tpu.vector_load %arg5[%get3A_360] {strides = array<i32>} : memref<512xi32, #tpu.memory_space<vmem>>, vector<16xi32>,
    %get3A_362 = vector.shape_cast %get3A_361 : vector<16xi32> to vector<16xi32>
    %and3A_363 = arith.constant 32767 : i32
    %and3A_364 = vector.broadcast %and3A_363 : i32 to vector<16xi32>
    %and3A_365 = arith.andi %get3A_362, %and3A_364 : vector<16xi32>
    %swap3A_366 = arith.constant 3 : i32
    %swap3A_367 = arith.index_cast %swap3A_366 : i32 to index
    %swap3A_368 = arith.constant 96 : index
    %swap3A_369 = tpu.vector_load %arg6[%swap3A_367, %swap3A_368] {strides = array<i32>} : memref<4x128xi32, #tpu.memory_space<vmem>>, vector<1x16xi32>,
    %swap3A_370 = vector.shape_cast %swap3A_369 : vector<1x16xi32> to vector<16xi32>
    %swap3A_371 = vector.shape_cast %and3A_365 : vector<16xi32> to vector<1x16xi32>
    tpu.vector_store %arg6[%swap3A_367, %swap3A_368], %swap3A_371 {strides = array<i32>} : memref<4x128xi32, #tpu.memory_space<vmem>>, vector<1x16xi32>,
    %get3A_372 = arith.constant 496 : index
    %get3A_373 = tpu.vector_load %arg5[%get3A_372] {strides = array<i32>} : memref<512xi32, #tpu.memory_space<vmem>>, vector<16xi32>,
    %get3A_374 = vector.shape_cast %get3A_373 : vector<16xi32> to vector<16xi32>
    %and3A_375 = arith.constant 32767 : i32
    %and3A_376 = vector.broadcast %and3A_375 : i32 to vector<16xi32>
    %and3A_377 = arith.andi %get3A_374, %and3A_376 : vector<16xi32>
    %swap3A_378 = arith.constant 3 : i32
    %swap3A_379 = arith.index_cast %swap3A_378 : i32 to index
    %swap3A_380 = arith.constant 112 : index
    %swap3A_381 = tpu.vector_load %arg6[%swap3A_379, %swap3A_380] {strides = array<i32>} : memref<4x128xi32, #tpu.memory_space<vmem>>, vector<1x16xi32>,
    %swap3A_382 = vector.shape_cast %swap3A_381 : vector<1x16xi32> to vector<16xi32>
    %swap3A_383 = vector.shape_cast %and3A_377 : vector<16xi32> to vector<1x16xi32>
    tpu.vector_store %arg6[%swap3A_379, %swap3A_380], %swap3A_383 {strides = array<i32>} : memref<4x128xi32, #tpu.memory_space<vmem>>, vector<1x16xi32>,
    %dma_start3A = arith.constant 0 : i32
    %dma_start3A_384 = arith.constant 0 : i32
    %dma_start3A_385 = arith.constant 0 : i32
    %dma_start3A_386 = tpu.memref_slice %arg7[%dma_start3A_384, %dma_start3A_385] : memref<512x128xf32, #tpu.memory_space<vmem>> -> memref<128x128xf32, #tpu.memory_space<vmem>>
    %dma_start3A_387 = arith.constant 0 : i32
    %dma_start3A_388 = tpu.memref_slice %arg6[%dma_start3A, %dma_start3A_387] : memref<4x128xi32, #tpu.memory_space<vmem>> -> memref<1x128xi32, #tpu.memory_space<vmem>>
    %dma_start3A_389 = tpu.memref_squeeze %dma_start3A_388 : memref<1x128xi32, #tpu.memory_space<vmem>> -> memref<128xi32, #tpu.memory_space<vmem>>
    %dma_start3A_390 = arith.constant 0 : i32
    %dma_start3A_391 = arith.constant 0 : i32
    %dma_start3A_392 = tpu.memref_slice %arg2[%dma_start3A_390, %dma_start3A_391] : memref<32768x128xf32, #tpu.memory_space<hbm>> -> memref<32768x128xf32, #tpu.memory_space<hbm>>
    tpu.enqueue_indirect_dma source(%dma_start3A_392 : memref<32768x128xf32, #tpu.memory_space<hbm>>) target(%dma_start3A_386 : memref<128x128xf32, #tpu.memory_space<vmem>>) offsets(%dma_start3A_389 : memref<128xi32, #tpu.memory_space<vmem>>) semaphore(%arg8 : memref<!tpu.dma_semaphore, #tpu.memory_space<semaphore_mem>>)
    %dma_start3A_393 = arith.constant 1 : i32
    %dma_start3A_394 = arith.constant 128 : i32
    %dma_start3A_395 = arith.constant 0 : i32
    %dma_start3A_396 = tpu.memref_slice %arg7[%dma_start3A_394, %dma_start3A_395] : memref<512x128xf32, #tpu.memory_space<vmem>> -> memref<128x128xf32, #tpu.memory_space<vmem>>
    %dma_start3A_397 = arith.constant 0 : i32
    %dma_start3A_398 = tpu.memref_slice %arg6[%dma_start3A_393, %dma_start3A_397] : memref<4x128xi32, #tpu.memory_space<vmem>> -> memref<1x128xi32, #tpu.memory_space<vmem>>
    %dma_start3A_399 = tpu.memref_squeeze %dma_start3A_398 : memref<1x128xi32, #tpu.memory_space<vmem>> -> memref<128xi32, #tpu.memory_space<vmem>>
    %dma_start3A_400 = arith.constant 0 : i32
    %dma_start3A_401 = arith.constant 0 : i32
    %dma_start3A_402 = tpu.memref_slice %arg2[%dma_start3A_400, %dma_start3A_401] : memref<32768x128xf32, #tpu.memory_space<hbm>> -> memref<32768x128xf32, #tpu.memory_space<hbm>>
    tpu.enqueue_indirect_dma source(%dma_start3A_402 : memref<32768x128xf32, #tpu.memory_space<hbm>>) target(%dma_start3A_396 : memref<128x128xf32, #tpu.memory_space<vmem>>) offsets(%dma_start3A_399 : memref<128xi32, #tpu.memory_space<vmem>>) semaphore(%arg8 : memref<!tpu.dma_semaphore, #tpu.memory_space<semaphore_mem>>)
    %dma_start3A_403 = arith.constant 2 : i32
    %dma_start3A_404 = arith.constant 256 : i32
    %dma_start3A_405 = arith.constant 0 : i32
    %dma_start3A_406 = tpu.memref_slice %arg7[%dma_start3A_404, %dma_start3A_405] : memref<512x128xf32, #tpu.memory_space<vmem>> -> memref<128x128xf32, #tpu.memory_space<vmem>>
    %dma_start3A_407 = arith.constant 0 : i32
    %dma_start3A_408 = tpu.memref_slice %arg6[%dma_start3A_403, %dma_start3A_407] : memref<4x128xi32, #tpu.memory_space<vmem>> -> memref<1x128xi32, #tpu.memory_space<vmem>>
    %dma_start3A_409 = tpu.memref_squeeze %dma_start3A_408 : memref<1x128xi32, #tpu.memory_space<vmem>> -> memref<128xi32, #tpu.memory_space<vmem>>
    %dma_start3A_410 = arith.constant 0 : i32
    %dma_start3A_411 = arith.constant 0 : i32
    %dma_start3A_412 = tpu.memref_slice %arg2[%dma_start3A_410, %dma_start3A_411] : memref<32768x128xf32, #tpu.memory_space<hbm>> -> memref<32768x128xf32, #tpu.memory_space<hbm>>
    tpu.enqueue_indirect_dma source(%dma_start3A_412 : memref<32768x128xf32, #tpu.memory_space<hbm>>) target(%dma_start3A_406 : memref<128x128xf32, #tpu.memory_space<vmem>>) offsets(%dma_start3A_409 : memref<128xi32, #tpu.memory_space<vmem>>) semaphore(%arg8 : memref<!tpu.dma_semaphore, #tpu.memory_space<semaphore_mem>>)
    %dma_start3A_413 = arith.constant 3 : i32
    %dma_start3A_414 = arith.constant 384 : i32
    %dma_start3A_415 = arith.constant 0 : i32
    %dma_start3A_416 = tpu.memref_slice %arg7[%dma_start3A_414, %dma_start3A_415] : memref<512x128xf32, #tpu.memory_space<vmem>> -> memref<128x128xf32, #tpu.memory_space<vmem>>
    %dma_start3A_417 = arith.constant 0 : i32
    %dma_start3A_418 = tpu.memref_slice %arg6[%dma_start3A_413, %dma_start3A_417] : memref<4x128xi32, #tpu.memory_space<vmem>> -> memref<1x128xi32, #tpu.memory_space<vmem>>
    %dma_start3A_419 = tpu.memref_squeeze %dma_start3A_418 : memref<1x128xi32, #tpu.memory_space<vmem>> -> memref<128xi32, #tpu.memory_space<vmem>>
    %dma_start3A_420 = arith.constant 0 : i32
    %dma_start3A_421 = arith.constant 0 : i32
    %dma_start3A_422 = tpu.memref_slice %arg2[%dma_start3A_420, %dma_start3A_421] : memref<32768x128xf32, #tpu.memory_space<hbm>> -> memref<32768x128xf32, #tpu.memory_space<hbm>>
    tpu.enqueue_indirect_dma source(%dma_start3A_422 : memref<32768x128xf32, #tpu.memory_space<hbm>>) target(%dma_start3A_416 : memref<128x128xf32, #tpu.memory_space<vmem>>) offsets(%dma_start3A_419 : memref<128xi32, #tpu.memory_space<vmem>>) semaphore(%arg8 : memref<!tpu.dma_semaphore, #tpu.memory_space<semaphore_mem>>)
    %dma_wait3A = arith.constant 0 : i32
    %dma_wait3A_423 = arith.constant 0 : i32
    %dma_wait3A_424 = arith.constant 0 : i32
    %dma_wait3A_425 = tpu.memref_slice %arg7[%dma_wait3A_423, %dma_wait3A_424] : memref<512x128xf32, #tpu.memory_space<vmem>> -> memref<128x128xf32, #tpu.memory_space<vmem>>
    %dma_wait3A_426 = arith.constant 0 : i32
    %dma_wait3A_427 = tpu.memref_slice %arg6[%dma_wait3A, %dma_wait3A_426] : memref<4x128xi32, #tpu.memory_space<vmem>> -> memref<1x128xi32, #tpu.memory_space<vmem>>
    %dma_wait3A_428 = tpu.memref_squeeze %dma_wait3A_427 : memref<1x128xi32, #tpu.memory_space<vmem>> -> memref<128xi32, #tpu.memory_space<vmem>>
    %dma_wait3A_429 = arith.constant 0 : i32
    %dma_wait3A_430 = arith.constant 0 : i32
    %dma_wait3A_431 = tpu.memref_slice %arg2[%dma_wait3A_429, %dma_wait3A_430] : memref<32768x128xf32, #tpu.memory_space<hbm>> -> memref<32768x128xf32, #tpu.memory_space<hbm>>
    tpu.wait_indirect_dma semaphore(%arg8 : memref<!tpu.dma_semaphore, #tpu.memory_space<semaphore_mem>>) src(%dma_wait3A_431 : memref<32768x128xf32, #tpu.memory_space<hbm>>) dst(%dma_wait3A_425 : memref<128x128xf32, #tpu.memory_space<vmem>>)
    %dma_wait3A_432 = arith.constant 1 : i32
    %dma_wait3A_433 = arith.constant 128 : i32
    %dma_wait3A_434 = arith.constant 0 : i32
    %dma_wait3A_435 = tpu.memref_slice %arg7[%dma_wait3A_433, %dma_wait3A_434] : memref<512x128xf32, #tpu.memory_space<vmem>> -> memref<128x128xf32, #tpu.memory_space<vmem>>
    %dma_wait3A_436 = arith.constant 0 : i32
    %dma_wait3A_437 = tpu.memref_slice %arg6[%dma_wait3A_432, %dma_wait3A_436] : memref<4x128xi32, #tpu.memory_space<vmem>> -> memref<1x128xi32, #tpu.memory_space<vmem>>
    %dma_wait3A_438 = tpu.memref_squeeze %dma_wait3A_437 : memref<1x128xi32, #tpu.memory_space<vmem>> -> memref<128xi32, #tpu.memory_space<vmem>>
    %dma_wait3A_439 = arith.constant 0 : i32
    %dma_wait3A_440 = arith.constant 0 : i32
    %dma_wait3A_441 = tpu.memref_slice %arg2[%dma_wait3A_439, %dma_wait3A_440] : memref<32768x128xf32, #tpu.memory_space<hbm>> -> memref<32768x128xf32, #tpu.memory_space<hbm>>
    tpu.wait_indirect_dma semaphore(%arg8 : memref<!tpu.dma_semaphore, #tpu.memory_space<semaphore_mem>>) src(%dma_wait3A_441 : memref<32768x128xf32, #tpu.memory_space<hbm>>) dst(%dma_wait3A_435 : memref<128x128xf32, #tpu.memory_space<vmem>>)
    %dma_wait3A_442 = arith.constant 2 : i32
    %dma_wait3A_443 = arith.constant 256 : i32
    %dma_wait3A_444 = arith.constant 0 : i32
    %dma_wait3A_445 = tpu.memref_slice %arg7[%dma_wait3A_443, %dma_wait3A_444] : memref<512x128xf32, #tpu.memory_space<vmem>> -> memref<128x128xf32, #tpu.memory_space<vmem>>
    %dma_wait3A_446 = arith.constant 0 : i32
    %dma_wait3A_447 = tpu.memref_slice %arg6[%dma_wait3A_442, %dma_wait3A_446] : memref<4x128xi32, #tpu.memory_space<vmem>> -> memref<1x128xi32, #tpu.memory_space<vmem>>
    %dma_wait3A_448 = tpu.memref_squeeze %dma_wait3A_447 : memref<1x128xi32, #tpu.memory_space<vmem>> -> memref<128xi32, #tpu.memory_space<vmem>>
    %dma_wait3A_449 = arith.constant 0 : i32
    %dma_wait3A_450 = arith.constant 0 : i32
    %dma_wait3A_451 = tpu.memref_slice %arg2[%dma_wait3A_449, %dma_wait3A_450] : memref<32768x128xf32, #tpu.memory_space<hbm>> -> memref<32768x128xf32, #tpu.memory_space<hbm>>
    tpu.wait_indirect_dma semaphore(%arg8 : memref<!tpu.dma_semaphore, #tpu.memory_space<semaphore_mem>>) src(%dma_wait3A_451 : memref<32768x128xf32, #tpu.memory_space<hbm>>) dst(%dma_wait3A_445 : memref<128x128xf32, #tpu.memory_space<vmem>>)
    %dma_wait3A_452 = arith.constant 3 : i32
    %dma_wait3A_453 = arith.constant 384 : i32
    %dma_wait3A_454 = arith.constant 0 : i32
    %dma_wait3A_455 = tpu.memref_slice %arg7[%dma_wait3A_453, %dma_wait3A_454] : memref<512x128xf32, #tpu.memory_space<vmem>> -> memref<128x128xf32, #tpu.memory_space<vmem>>
    %dma_wait3A_456 = arith.constant 0 : i32
    %dma_wait3A_457 = tpu.memref_slice %arg6[%dma_wait3A_452, %dma_wait3A_456] : memref<4x128xi32, #tpu.memory_space<vmem>> -> memref<1x128xi32, #tpu.memory_space<vmem>>
    %dma_wait3A_458 = tpu.memref_squeeze %dma_wait3A_457 : memref<1x128xi32, #tpu.memory_space<vmem>> -> memref<128xi32, #tpu.memory_space<vmem>>
    %dma_wait3A_459 = arith.constant 0 : i32
    %dma_wait3A_460 = arith.constant 0 : i32
    %dma_wait3A_461 = tpu.memref_slice %arg2[%dma_wait3A_459, %dma_wait3A_460] : memref<32768x128xf32, #tpu.memory_space<hbm>> -> memref<32768x128xf32, #tpu.memory_space<hbm>>
    tpu.wait_indirect_dma semaphore(%arg8 : memref<!tpu.dma_semaphore, #tpu.memory_space<semaphore_mem>>) src(%dma_wait3A_461 : memref<32768x128xf32, #tpu.memory_space<hbm>>) dst(%dma_wait3A_455 : memref<128x128xf32, #tpu.memory_space<vmem>>)
    "tpu.region"() ({
      %run_scoped3A = tpu.sem_alloc : memref<!tpu.dma_semaphore, #tpu.memory_space<semaphore_mem>>
      %dma_start3A_462 = arith.constant 0 : i32
      %dma_start3A_463 = tpu.memref_slice %arg4[%mul3A_2, %dma_start3A_462] : memref<16384x128xf32, #tpu.memory_space<hbm>> -> memref<512x128xf32, #tpu.memory_space<hbm>>
      %dma_start3A_464 = arith.constant 0 : i32
      %dma_start3A_465 = tpu.memref_slice %arg4[%mul3A_2, %dma_start3A_464] : memref<16384x128xf32, #tpu.memory_space<hbm>> -> memref<512x128xf32, #tpu.memory_space<hbm>>
      tpu.enqueue_dma source(%arg7 : memref<512x128xf32, #tpu.memory_space<vmem>>) target(%dma_start3A_465 : memref<512x128xf32, #tpu.memory_space<hbm>>) target_semaphore(%run_scoped3A : memref<!tpu.dma_semaphore, #tpu.memory_space<semaphore_mem>>)
      %dma_wait3A_466 = arith.constant 0 : i32
      %dma_wait3A_467 = tpu.memref_slice %arg4[%mul3A_2, %dma_wait3A_466] : memref<16384x128xf32, #tpu.memory_space<hbm>> -> memref<512x128xf32, #tpu.memory_space<hbm>>
      %dma_wait3A_468 = arith.constant 0 : i32
      %dma_wait3A_469 = tpu.memref_slice %arg4[%mul3A_2, %dma_wait3A_468] : memref<16384x128xf32, #tpu.memory_space<hbm>> -> memref<512x128xf32, #tpu.memory_space<hbm>>
      tpu.wait_dma2 semaphore(%run_scoped3A : memref<!tpu.dma_semaphore, #tpu.memory_space<semaphore_mem>>) src(%arg7 : memref<512x128xf32, #tpu.memory_space<vmem>>) dst(%dma_wait3A_469 : memref<512x128xf32, #tpu.memory_space<hbm>>)
      tpu.yield
    }) : () -> ()
    return
  }
}

module attributes {stable_mosaic.version = 14 : i64} {
  func.func @_tp_body(%arg0: i32, %arg1: memref<32x8192xf32, #tpu.memory_space<vmem>>, %arg2: memref<32x8192xf32, #tpu.memory_space<vmem>>, %arg3: memref<32x8192xf32, #tpu.memory_space<vmem>>, %arg4: memref<32x8192xf32, #tpu.memory_space<vmem>>, %arg5: memref<8192x128xf32, #tpu.memory_space<vmem>>) attributes {dimension_semantics = [#tpu.dimension_semantics<arbitrary>], iteration_bounds = array<i64: 4>, scalar_prefetch = 0 : i64, scratch_operands = 0 : i64, tpu.core_type = #tpu.core_type<tc>, window_params = [{transform_indices = @transform_0, window_bounds = array<i64: 32, 8192>}, {transform_indices = @transform_1, window_bounds = array<i64: 32, 8192>}, {transform_indices = @transform_2, window_bounds = array<i64: 32, 8192>}, {transform_indices = @transform_3, window_bounds = array<i64: 32, 8192>}, {transform_indices = @transform_4, window_bounds = array<i64: 8192, 128>}]} {
    %get3A = arith.constant 0 : index
    %get3A_0 = arith.constant 0 : index
    %get3A_1 = vector.load %arg1[%get3A, %get3A_0] : memref<32x8192xf32, #tpu.memory_space<vmem>>, vector<32x8192xf32>
    %transpose3A = tpu.transpose %get3A_1, [1, 0] : vector<32x8192xf32> -> vector<8192x32xf32>
    %get3A_2 = arith.constant 0 : index
    %get3A_3 = arith.constant 0 : index
    %get3A_4 = vector.load %arg2[%get3A_2, %get3A_3] : memref<32x8192xf32, #tpu.memory_space<vmem>>, vector<32x8192xf32>
    %transpose3A_5 = tpu.transpose %get3A_4, [1, 0] : vector<32x8192xf32> -> vector<8192x32xf32>
    %get3A_6 = arith.constant 0 : index
    %get3A_7 = arith.constant 0 : index
    %get3A_8 = vector.load %arg3[%get3A_6, %get3A_7] : memref<32x8192xf32, #tpu.memory_space<vmem>>, vector<32x8192xf32>
    %transpose3A_9 = tpu.transpose %get3A_8, [1, 0] : vector<32x8192xf32> -> vector<8192x32xf32>
    %get3A_10 = arith.constant 0 : index
    %get3A_11 = arith.constant 0 : index
    %get3A_12 = vector.load %arg4[%get3A_10, %get3A_11] : memref<32x8192xf32, #tpu.memory_space<vmem>>, vector<32x8192xf32>
    %transpose3A_13 = tpu.transpose %get3A_12, [1, 0] : vector<32x8192xf32> -> vector<8192x32xf32>
    %concatenate3A = tpu.concatenate %transpose3A, %transpose3A_5, %transpose3A_9, %transpose3A_13 in 1 : vector<8192x32xf32>, vector<8192x32xf32>, vector<8192x32xf32>, vector<8192x32xf32> -> vector<8192x128xf32>
    %swap3A = arith.constant 0 : index
    %swap3A_14 = arith.constant 0 : index
    %swap3A_15 = vector.load %arg5[%swap3A, %swap3A_14] : memref<8192x128xf32, #tpu.memory_space<vmem>>, vector<8192x128xf32>
    tpu.vector_store %arg5[%swap3A, %swap3A_14], %concatenate3A {strides = array<i32>} : memref<8192x128xf32, #tpu.memory_space<vmem>>, vector<8192x128xf32>,
    return
  }
  func.func @transform_0(%arg0: i32) -> (i32, i32) {
    %add3A = arith.constant 0 : i32
    %add3A_0 = arith.addi %add3A, %arg0 : i32
    %min3A = arith.constant 12 : i32
    %min3A_1 = arith.minsi %add3A_0, %min3A : i32
    %c0_i32 = arith.constant 0 : i32
    %c0_i32_2 = arith.constant 0 : i32
    return %c0_i32, %min3A_1 : i32, i32
  }
  func.func @transform_1(%arg0: i32) -> (i32, i32) {
    %add3A = arith.constant 4 : i32
    %add3A_0 = arith.addi %add3A, %arg0 : i32
    %min3A = arith.constant 12 : i32
    %min3A_1 = arith.minsi %add3A_0, %min3A : i32
    %c0_i32 = arith.constant 0 : i32
    %c0_i32_2 = arith.constant 0 : i32
    return %c0_i32, %min3A_1 : i32, i32
  }
  func.func @transform_2(%arg0: i32) -> (i32, i32) {
    %add3A = arith.constant 8 : i32
    %add3A_0 = arith.addi %add3A, %arg0 : i32
    %min3A = arith.constant 12 : i32
    %min3A_1 = arith.minsi %add3A_0, %min3A : i32
    %c0_i32 = arith.constant 0 : i32
    %c0_i32_2 = arith.constant 0 : i32
    return %c0_i32, %min3A_1 : i32, i32
  }
  func.func @transform_3(%arg0: i32) -> (i32, i32) {
    %add3A = arith.constant 12 : i32
    %add3A_0 = arith.addi %add3A, %arg0 : i32
    %min3A = arith.constant 12 : i32
    %min3A_1 = arith.minsi %add3A_0, %min3A : i32
    %c0_i32 = arith.constant 0 : i32
    %c0_i32_2 = arith.constant 0 : i32
    return %c0_i32, %min3A_1 : i32, i32
  }
  func.func @transform_4(%arg0: i32) -> (i32, i32) {
    %c0_i32 = arith.constant 0 : i32
    %c0_i32_0 = arith.constant 0 : i32
    return %arg0, %c0_i32 : i32, i32
  }
}

module attributes {stable_mosaic.version = 14 : i64} {
  func.func @_tp_body(%arg0: i32, %arg1: memref<32x8192xf32, #tpu.memory_space<vmem>>, %arg2: memref<32x8192xf32, #tpu.memory_space<vmem>>, %arg3: memref<32x8192xf32, #tpu.memory_space<vmem>>, %arg4: memref<32x8192xf32, #tpu.memory_space<vmem>>, %arg5: memref<8192x128xf32, #tpu.memory_space<vmem>>) attributes {dimension_semantics = [#tpu.dimension_semantics<arbitrary>], iteration_bounds = array<i64: 32>, scalar_prefetch = 0 : i64, scratch_operands = 0 : i64, tpu.core_type = #tpu.core_type<tc>, window_params = [{transform_indices = @transform_0, window_bounds = array<i64: 32, 8192>}, {transform_indices = @transform_1, window_bounds = array<i64: 32, 8192>}, {transform_indices = @transform_2, window_bounds = array<i64: 32, 8192>}, {transform_indices = @transform_3, window_bounds = array<i64: 32, 8192>}, {transform_indices = @transform_4, window_bounds = array<i64: 8192, 128>}]} {
    %get3A = arith.constant 0 : index
    %get3A_0 = arith.constant 0 : index
    %get3A_1 = vector.load %arg1[%get3A, %get3A_0] : memref<32x8192xf32, #tpu.memory_space<vmem>>, vector<32x8192xf32>
    %transpose3A = tpu.transpose %get3A_1, [1, 0] : vector<32x8192xf32> -> vector<8192x32xf32>
    %get3A_2 = arith.constant 0 : index
    %get3A_3 = arith.constant 0 : index
    %get3A_4 = vector.load %arg2[%get3A_2, %get3A_3] : memref<32x8192xf32, #tpu.memory_space<vmem>>, vector<32x8192xf32>
    %transpose3A_5 = tpu.transpose %get3A_4, [1, 0] : vector<32x8192xf32> -> vector<8192x32xf32>
    %get3A_6 = arith.constant 0 : index
    %get3A_7 = arith.constant 0 : index
    %get3A_8 = vector.load %arg3[%get3A_6, %get3A_7] : memref<32x8192xf32, #tpu.memory_space<vmem>>, vector<32x8192xf32>
    %transpose3A_9 = tpu.transpose %get3A_8, [1, 0] : vector<32x8192xf32> -> vector<8192x32xf32>
    %get3A_10 = arith.constant 0 : index
    %get3A_11 = arith.constant 0 : index
    %get3A_12 = vector.load %arg4[%get3A_10, %get3A_11] : memref<32x8192xf32, #tpu.memory_space<vmem>>, vector<32x8192xf32>
    %transpose3A_13 = tpu.transpose %get3A_12, [1, 0] : vector<32x8192xf32> -> vector<8192x32xf32>
    %concatenate3A = tpu.concatenate %transpose3A, %transpose3A_5, %transpose3A_9, %transpose3A_13 in 1 : vector<8192x32xf32>, vector<8192x32xf32>, vector<8192x32xf32>, vector<8192x32xf32> -> vector<8192x128xf32>
    %swap3A = arith.constant 0 : index
    %swap3A_14 = arith.constant 0 : index
    %swap3A_15 = vector.load %arg5[%swap3A, %swap3A_14] : memref<8192x128xf32, #tpu.memory_space<vmem>>, vector<8192x128xf32>
    tpu.vector_store %arg5[%swap3A, %swap3A_14], %concatenate3A {strides = array<i32>} : memref<8192x128xf32, #tpu.memory_space<vmem>>, vector<8192x128xf32>,
    return
  }
  func.func @transform_0(%arg0: i32) -> (i32, i32) {
    %add3A = arith.constant 0 : i32
    %add3A_0 = arith.addi %add3A, %arg0 : i32
    %min3A = arith.constant 122 : i32
    %min3A_1 = arith.minsi %add3A_0, %min3A : i32
    %c0_i32 = arith.constant 0 : i32
    %c0_i32_2 = arith.constant 0 : i32
    return %c0_i32, %min3A_1 : i32, i32
  }
  func.func @transform_1(%arg0: i32) -> (i32, i32) {
    %add3A = arith.constant 32 : i32
    %add3A_0 = arith.addi %add3A, %arg0 : i32
    %min3A = arith.constant 122 : i32
    %min3A_1 = arith.minsi %add3A_0, %min3A : i32
    %c0_i32 = arith.constant 0 : i32
    %c0_i32_2 = arith.constant 0 : i32
    return %c0_i32, %min3A_1 : i32, i32
  }
  func.func @transform_2(%arg0: i32) -> (i32, i32) {
    %add3A = arith.constant 64 : i32
    %add3A_0 = arith.addi %add3A, %arg0 : i32
    %min3A = arith.constant 122 : i32
    %min3A_1 = arith.minsi %add3A_0, %min3A : i32
    %c0_i32 = arith.constant 0 : i32
    %c0_i32_2 = arith.constant 0 : i32
    return %c0_i32, %min3A_1 : i32, i32
  }
  func.func @transform_3(%arg0: i32) -> (i32, i32) {
    %add3A = arith.constant 96 : i32
    %add3A_0 = arith.addi %add3A, %arg0 : i32
    %min3A = arith.constant 122 : i32
    %min3A_1 = arith.minsi %add3A_0, %min3A : i32
    %c0_i32 = arith.constant 0 : i32
    %c0_i32_2 = arith.constant 0 : i32
    return %c0_i32, %min3A_1 : i32, i32
  }
  func.func @transform_4(%arg0: i32) -> (i32, i32) {
    %c0_i32 = arith.constant 0 : i32
    %c0_i32_0 = arith.constant 0 : i32
    return %arg0, %c0_i32 : i32, i32
  }
}

module attributes {stable_mosaic.version = 14 : i64} {
  func.func @_tc_body(%arg0: i32, %arg1: memref<2048x128xf32, #tpu.memory_space<vmem>>, %arg2: memref<2048x128xf32, #tpu.memory_space<vmem>>, %arg3: memref<2048x128xf32, #tpu.memory_space<vmem>>, %arg4: memref<2048x128xf32, #tpu.memory_space<vmem>>, %arg5: memref<2048x1xi32, #tpu.memory_space<vmem>>, %arg6: memref<2048x1xi32, #tpu.memory_space<vmem>>, %arg7: memref<6x2048xi32, #tpu.memory_space<vmem>>, %arg8: memref<32x128xf32, #tpu.memory_space<vmem>>, %arg9: memref<32x128xf32, #tpu.memory_space<vmem>>, %arg10: memref<16x32xf32, #tpu.memory_space<vmem>>, %arg11: memref<128x32xf32, #tpu.memory_space<vmem>>, %arg12: memref<1x2048xf32, #tpu.memory_space<vmem>>) attributes {dimension_semantics = [#tpu.dimension_semantics<arbitrary>], iteration_bounds = array<i64: 8>, scalar_prefetch = 0 : i64, scratch_operands = 0 : i64, tpu.core_type = #tpu.core_type<tc>, window_params = [{transform_indices = @transform_0, window_bounds = array<i64: 2048, 128>}, {transform_indices = @transform_1, window_bounds = array<i64: 2048, 128>}, {transform_indices = @transform_2, window_bounds = array<i64: 2048, 128>}, {transform_indices = @transform_3, window_bounds = array<i64: 2048, 128>}, {transform_indices = @transform_4, window_bounds = array<i64: 2048, 1>}, {transform_indices = @transform_5, window_bounds = array<i64: 2048, 1>}, {transform_indices = @transform_6, window_bounds = array<i64: 6, 2048>}, {pipeline_mode = #tpu.pipeline_mode<synchronous>, transform_indices = @transform_7, window_bounds = array<i64: 32, 128>}, {pipeline_mode = #tpu.pipeline_mode<synchronous>, transform_indices = @transform_8, window_bounds = array<i64: 32, 128>}, {pipeline_mode = #tpu.pipeline_mode<synchronous>, transform_indices = @transform_9, window_bounds = array<i64: 16, 32>}, {pipeline_mode = #tpu.pipeline_mode<synchronous>, transform_indices = @transform_10, window_bounds = array<i64: 128, 32>}, {transform_indices = @transform_11, window_bounds = array<i64: 1, 2048>}]} {
    %get3A = arith.constant 0 : index
    %get3A_0 = arith.constant 0 : index
    %get3A_1 = vector.load %arg1[%get3A, %get3A_0] : memref<2048x128xf32, #tpu.memory_space<vmem>>, vector<2048x128xf32>
    %get3A_2 = arith.constant 0 : index
    %get3A_3 = arith.constant 0 : index
    %get3A_4 = vector.load %arg8[%get3A_2, %get3A_3] : memref<32x128xf32, #tpu.memory_space<vmem>>, vector<32x128xf32>
    %dot_general3A = arith.constant dense<0.000000e+00> : vector<2048x32xf32>
    %dot_general3A_5 = tpu.matmul %get3A_1, %get3A_4, %dot_general3A {dimension_numbers = #tpu.dot_dimension_numbers<[1], [1], [0], [0], [0, 0, 1, 0], [], []>, precision = #tpu.contract_precision<fp32>, transpose_lhs_hint = false} : vector<2048x128xf32>, vector<32x128xf32>, vector<2048x32xf32> -> vector<2048x32xf32>
    %get3A_6 = arith.constant 7 : index
    %get3A_7 = arith.constant 0 : index
    %get3A_8 = vector.load %arg10[%get3A_6, %get3A_7] : memref<16x32xf32, #tpu.memory_space<vmem>>, vector<1x32xf32>
    %add3A = vector.broadcast %get3A_8 : vector<1x32xf32> to vector<2048x32xf32>
    %add3A_9 = arith.addf %dot_general3A_5, %add3A : vector<2048x32xf32>
    %get3A_10 = arith.constant 0 : index
    %get3A_11 = arith.constant 0 : index
    %get3A_12 = vector.load %arg2[%get3A_10, %get3A_11] : memref<2048x128xf32, #tpu.memory_space<vmem>>, vector<2048x128xf32>
    %get3A_13 = arith.constant 0 : index
    %get3A_14 = arith.constant 0 : index
    %get3A_15 = vector.load %arg9[%get3A_13, %get3A_14] : memref<32x128xf32, #tpu.memory_space<vmem>>, vector<32x128xf32>
    %dot_general3A_16 = arith.constant dense<0.000000e+00> : vector<2048x32xf32>
    %dot_general3A_17 = tpu.matmul %get3A_12, %get3A_15, %dot_general3A_16 {dimension_numbers = #tpu.dot_dimension_numbers<[1], [1], [0], [0], [0, 0, 1, 0], [], []>, precision = #tpu.contract_precision<fp32>, transpose_lhs_hint = false} : vector<2048x128xf32>, vector<32x128xf32>, vector<2048x32xf32> -> vector<2048x32xf32>
    %get3A_18 = arith.constant 8 : index
    %get3A_19 = arith.constant 0 : index
    %get3A_20 = vector.load %arg10[%get3A_18, %get3A_19] : memref<16x32xf32, #tpu.memory_space<vmem>>, vector<1x32xf32>
    %add3A_21 = vector.broadcast %get3A_20 : vector<1x32xf32> to vector<2048x32xf32>
    %add3A_22 = arith.addf %dot_general3A_17, %add3A_21 : vector<2048x32xf32>
    %get3A_23 = arith.constant 0 : index
    %get3A_24 = arith.constant 0 : index
    %get3A_25 = vector.load %arg3[%get3A_23, %get3A_24] : memref<2048x128xf32, #tpu.memory_space<vmem>>, vector<2048x128xf32>
    %get3A_26 = arith.constant 0 : index
    %get3A_27 = arith.constant 0 : index
    %get3A_28 = vector.load %arg5[%get3A_26, %get3A_27] : memref<2048x1xi32, #tpu.memory_space<vmem>>, vector<2048x1xi32>
    %shift_right_logical3A = arith.constant 18 : i32
    %shift_right_logical3A_29 = vector.broadcast %shift_right_logical3A : i32 to vector<2048x1xi32>
    %shift_right_logical3A_30 = arith.shrui %get3A_28, %shift_right_logical3A_29 : vector<2048x1xi32>
    %eq3A = arith.constant 0 : i32
    %eq3A_31 = vector.broadcast %eq3A : i32 to vector<2048x1xi32>
    %eq3A_32 = arith.cmpi eq, %shift_right_logical3A_30, %eq3A_31 : vector<2048x1xi32>
    %slice3A = vector.extract_strided_slice %get3A_25 {offsets = [0, 0], sizes = [2048, 32], strides = [1, 1]} : vector<2048x128xf32> to vector<2048x32xf32>
    %eq3A_33 = arith.constant 1 : i32
    %eq3A_34 = vector.broadcast %eq3A_33 : i32 to vector<2048x1xi32>
    %eq3A_35 = arith.cmpi eq, %shift_right_logical3A_30, %eq3A_34 : vector<2048x1xi32>
    %slice3A_36 = vector.extract_strided_slice %get3A_25 {offsets = [0, 32], sizes = [2048, 32], strides = [1, 1]} : vector<2048x128xf32> to vector<2048x32xf32>
    %eq3A_37 = arith.constant 2 : i32
    %eq3A_38 = vector.broadcast %eq3A_37 : i32 to vector<2048x1xi32>
    %eq3A_39 = arith.cmpi eq, %shift_right_logical3A_30, %eq3A_38 : vector<2048x1xi32>
    %slice3A_40 = vector.extract_strided_slice %get3A_25 {offsets = [0, 64], sizes = [2048, 32], strides = [1, 1]} : vector<2048x128xf32> to vector<2048x32xf32>
    %slice3A_41 = vector.extract_strided_slice %get3A_25 {offsets = [0, 96], sizes = [2048, 32], strides = [1, 1]} : vector<2048x128xf32> to vector<2048x32xf32>
    %broadcast_in_dim3A = vector.shape_cast %eq3A_39 : vector<2048x1xi1> to vector<2048x1xi1>
    %broadcast_in_dim3A_42 = vector.broadcast %broadcast_in_dim3A : vector<2048x1xi1> to vector<2048x32xi1>
    %select_n3A = arith.select %broadcast_in_dim3A_42, %slice3A_40, %slice3A_41 : vector<2048x32xi1>, vector<2048x32xf32>
    %broadcast_in_dim3A_43 = vector.shape_cast %eq3A_35 : vector<2048x1xi1> to vector<2048x1xi1>
    %broadcast_in_dim3A_44 = vector.broadcast %broadcast_in_dim3A_43 : vector<2048x1xi1> to vector<2048x32xi1>
    %select_n3A_45 = arith.select %broadcast_in_dim3A_44, %slice3A_36, %select_n3A : vector<2048x32xi1>, vector<2048x32xf32>
    %broadcast_in_dim3A_46 = vector.shape_cast %eq3A_32 : vector<2048x1xi1> to vector<2048x1xi1>
    %broadcast_in_dim3A_47 = vector.broadcast %broadcast_in_dim3A_46 : vector<2048x1xi1> to vector<2048x32xi1>
    %select_n3A_48 = arith.select %broadcast_in_dim3A_47, %slice3A, %select_n3A_45 : vector<2048x32xi1>, vector<2048x32xf32>
    %get3A_49 = arith.constant 0 : index
    %get3A_50 = arith.constant 0 : index
    %get3A_51 = vector.load %arg4[%get3A_49, %get3A_50] : memref<2048x128xf32, #tpu.memory_space<vmem>>, vector<2048x128xf32>
    %get3A_52 = arith.constant 0 : index
    %get3A_53 = arith.constant 0 : index
    %get3A_54 = vector.load %arg6[%get3A_52, %get3A_53] : memref<2048x1xi32, #tpu.memory_space<vmem>>, vector<2048x1xi32>
    %shift_right_logical3A_55 = arith.constant 15 : i32
    %shift_right_logical3A_56 = vector.broadcast %shift_right_logical3A_55 : i32 to vector<2048x1xi32>
    %shift_right_logical3A_57 = arith.shrui %get3A_54, %shift_right_logical3A_56 : vector<2048x1xi32>
    %eq3A_58 = arith.constant 0 : i32
    %eq3A_59 = vector.broadcast %eq3A_58 : i32 to vector<2048x1xi32>
    %eq3A_60 = arith.cmpi eq, %shift_right_logical3A_57, %eq3A_59 : vector<2048x1xi32>
    %slice3A_61 = vector.extract_strided_slice %get3A_51 {offsets = [0, 0], sizes = [2048, 32], strides = [1, 1]} : vector<2048x128xf32> to vector<2048x32xf32>
    %eq3A_62 = arith.constant 1 : i32
    %eq3A_63 = vector.broadcast %eq3A_62 : i32 to vector<2048x1xi32>
    %eq3A_64 = arith.cmpi eq, %shift_right_logical3A_57, %eq3A_63 : vector<2048x1xi32>
    %slice3A_65 = vector.extract_strided_slice %get3A_51 {offsets = [0, 32], sizes = [2048, 32], strides = [1, 1]} : vector<2048x128xf32> to vector<2048x32xf32>
    %eq3A_66 = arith.constant 2 : i32
    %eq3A_67 = vector.broadcast %eq3A_66 : i32 to vector<2048x1xi32>
    %eq3A_68 = arith.cmpi eq, %shift_right_logical3A_57, %eq3A_67 : vector<2048x1xi32>
    %slice3A_69 = vector.extract_strided_slice %get3A_51 {offsets = [0, 64], sizes = [2048, 32], strides = [1, 1]} : vector<2048x128xf32> to vector<2048x32xf32>
    %slice3A_70 = vector.extract_strided_slice %get3A_51 {offsets = [0, 96], sizes = [2048, 32], strides = [1, 1]} : vector<2048x128xf32> to vector<2048x32xf32>
    %broadcast_in_dim3A_71 = vector.shape_cast %eq3A_68 : vector<2048x1xi1> to vector<2048x1xi1>
    %broadcast_in_dim3A_72 = vector.broadcast %broadcast_in_dim3A_71 : vector<2048x1xi1> to vector<2048x32xi1>
    %select_n3A_73 = arith.select %broadcast_in_dim3A_72, %slice3A_69, %slice3A_70 : vector<2048x32xi1>, vector<2048x32xf32>
    %broadcast_in_dim3A_74 = vector.shape_cast %eq3A_64 : vector<2048x1xi1> to vector<2048x1xi1>
    %broadcast_in_dim3A_75 = vector.broadcast %broadcast_in_dim3A_74 : vector<2048x1xi1> to vector<2048x32xi1>
    %select_n3A_76 = arith.select %broadcast_in_dim3A_75, %slice3A_65, %select_n3A_73 : vector<2048x32xi1>, vector<2048x32xf32>
    %broadcast_in_dim3A_77 = vector.shape_cast %eq3A_60 : vector<2048x1xi1> to vector<2048x1xi1>
    %broadcast_in_dim3A_78 = vector.broadcast %broadcast_in_dim3A_77 : vector<2048x1xi1> to vector<2048x32xi1>
    %select_n3A_79 = arith.select %broadcast_in_dim3A_78, %slice3A_61, %select_n3A_76 : vector<2048x32xi1>, vector<2048x32xf32>
    %get3A_80 = arith.constant 0 : index
    %get3A_81 = arith.constant 0 : index
    %get3A_82 = vector.load %arg10[%get3A_80, %get3A_81] : memref<16x32xf32, #tpu.memory_space<vmem>>, vector<1x32xf32>
    %get3A_83 = arith.constant 1 : index
    %get3A_84 = arith.constant 0 : index
    %get3A_85 = vector.load %arg10[%get3A_83, %get3A_84] : memref<16x32xf32, #tpu.memory_space<vmem>>, vector<1x32xf32>
    %get3A_86 = arith.constant 2 : index
    %get3A_87 = arith.constant 0 : index
    %get3A_88 = vector.load %arg10[%get3A_86, %get3A_87] : memref<16x32xf32, #tpu.memory_space<vmem>>, vector<1x32xf32>
    %get3A_89 = arith.constant 3 : index
    %get3A_90 = arith.constant 0 : index
    %get3A_91 = vector.load %arg10[%get3A_89, %get3A_90] : memref<16x32xf32, #tpu.memory_space<vmem>>, vector<1x32xf32>
    %get3A_92 = arith.constant 4 : index
    %get3A_93 = arith.constant 0 : index
    %get3A_94 = vector.load %arg10[%get3A_92, %get3A_93] : memref<16x32xf32, #tpu.memory_space<vmem>>, vector<1x32xf32>
    %get3A_95 = arith.constant 5 : index
    %get3A_96 = arith.constant 0 : index
    %get3A_97 = vector.load %arg10[%get3A_95, %get3A_96] : memref<16x32xf32, #tpu.memory_space<vmem>>, vector<1x32xf32>
    %mul3A = vector.broadcast %get3A_82 : vector<1x32xf32> to vector<2048x32xf32>
    %mul3A_98 = arith.mulf %select_n3A_79, %mul3A : vector<2048x32xf32>
    %add3A_99 = vector.broadcast %get3A_88 : vector<1x32xf32> to vector<2048x32xf32>
    %add3A_100 = arith.addf %mul3A_98, %add3A_99 : vector<2048x32xf32>
    %mul3A_101 = arith.mulf %select_n3A_48, %add3A_100 : vector<2048x32xf32>
    %mul3A_102 = vector.broadcast %get3A_85 : vector<1x32xf32> to vector<2048x32xf32>
    %mul3A_103 = arith.mulf %add3A_22, %mul3A_102 : vector<2048x32xf32>
    %add3A_104 = vector.broadcast %get3A_91 : vector<1x32xf32> to vector<2048x32xf32>
    %add3A_105 = arith.addf %mul3A_103, %add3A_104 : vector<2048x32xf32>
    %mul3A_106 = arith.mulf %add3A_9, %add3A_105 : vector<2048x32xf32>
    %add3A_107 = arith.addf %mul3A_101, %mul3A_106 : vector<2048x32xf32>
    %mul3A_108 = vector.broadcast %get3A_94 : vector<1x32xf32> to vector<2048x32xf32>
    %mul3A_109 = arith.mulf %select_n3A_79, %mul3A_108 : vector<2048x32xf32>
    %add3A_110 = arith.addf %add3A_107, %mul3A_109 : vector<2048x32xf32>
    %mul3A_111 = vector.broadcast %get3A_97 : vector<1x32xf32> to vector<2048x32xf32>
    %mul3A_112 = arith.mulf %add3A_22, %mul3A_111 : vector<2048x32xf32>
    %add3A_113 = arith.addf %add3A_110, %mul3A_112 : vector<2048x32xf32>
    %broadcast_in_dim3A_114 = arith.constant 1.000000e+00 : f32
    %broadcast_in_dim3A_115 = vector.broadcast %broadcast_in_dim3A_114 : f32 to vector<1x32xf32>
    %dot_general3A_116 = arith.constant dense<0.000000e+00> : vector<1x2048xf32>
    %dot_general3A_117 = tpu.matmul %broadcast_in_dim3A_115, %add3A_113, %dot_general3A_116 {dimension_numbers = #tpu.dot_dimension_numbers<[1], [1], [0], [0], [0, 0, 1, 0], [], []>, precision = #tpu.contract_precision<fp32>, transpose_lhs_hint = false} : vector<1x32xf32>, vector<2048x32xf32>, vector<1x2048xf32> -> vector<1x2048xf32>
    %get3A_118 = arith.constant 6 : index
    %get3A_119 = arith.constant 0 : index
    %get3A_120 = vector.load %arg10[%get3A_118, %get3A_119] : memref<16x32xf32, #tpu.memory_space<vmem>>, vector<1x32xf32>
    %get3A_121 = arith.constant 0 : index
    %get3A_122 = arith.constant 0 : index
    %get3A_123 = vector.load %arg11[%get3A_121, %get3A_122] : memref<128x32xf32, #tpu.memory_space<vmem>>, vector<128x32xf32>
    %dot_general3A_124 = arith.constant dense<0.000000e+00> : vector<1x128xf32>
    %dot_general3A_125 = tpu.matmul %get3A_120, %get3A_123, %dot_general3A_124 {dimension_numbers = #tpu.dot_dimension_numbers<[1], [1], [0], [0], [0, 0, 1, 0], [], []>, precision = #tpu.contract_precision<fp32>, transpose_lhs_hint = false} : vector<1x32xf32>, vector<128x32xf32>, vector<1x128xf32> -> vector<1x128xf32>
    %iota3A = tpu.iota {dimensions = array<i32: 0>} : vector<128x2048xi32>
    %broadcast_in_dim3A_126 = arith.constant 0.000000e+00 : f32
    %broadcast_in_dim3A_127 = vector.broadcast %broadcast_in_dim3A_126 : f32 to vector<128x2048xf32>
    %get3A_128 = arith.constant 0 : index
    %get3A_129 = arith.constant 0 : index
    %get3A_130 = vector.load %arg7[%get3A_128, %get3A_129] : memref<6x2048xi32, #tpu.memory_space<vmem>>, vector<1x2048xi32>
    %add3A_131 = arith.constant 0 : i32
    %add3A_132 = vector.broadcast %add3A_131 : i32 to vector<1x2048xi32>
    %add3A_133 = arith.addi %get3A_130, %add3A_132 : vector<1x2048xi32>
    %eq3A_134 = vector.broadcast %add3A_133 : vector<1x2048xi32> to vector<128x2048xi32>
    %eq3A_135 = arith.cmpi eq, %iota3A, %eq3A_134 : vector<128x2048xi32>
    %convert_element_type3A = arith.extui %eq3A_135 : vector<128x2048xi1> to vector<128x2048xi32>
    %convert_element_type3A_136 = arith.sitofp %convert_element_type3A : vector<128x2048xi32> to vector<128x2048xf32>
    %add3A_137 = arith.addf %broadcast_in_dim3A_127, %convert_element_type3A_136 : vector<128x2048xf32>
    %get3A_138 = arith.constant 1 : index
    %get3A_139 = arith.constant 0 : index
    %get3A_140 = vector.load %arg7[%get3A_138, %get3A_139] : memref<6x2048xi32, #tpu.memory_space<vmem>>, vector<1x2048xi32>
    %add3A_141 = arith.constant 20 : i32
    %add3A_142 = vector.broadcast %add3A_141 : i32 to vector<1x2048xi32>
    %add3A_143 = arith.addi %get3A_140, %add3A_142 : vector<1x2048xi32>
    %eq3A_144 = vector.broadcast %add3A_143 : vector<1x2048xi32> to vector<128x2048xi32>
    %eq3A_145 = arith.cmpi eq, %iota3A, %eq3A_144 : vector<128x2048xi32>
    %convert_element_type3A_146 = arith.extui %eq3A_145 : vector<128x2048xi1> to vector<128x2048xi32>
    %convert_element_type3A_147 = arith.sitofp %convert_element_type3A_146 : vector<128x2048xi32> to vector<128x2048xf32>
    %add3A_148 = arith.addf %add3A_137, %convert_element_type3A_147 : vector<128x2048xf32>
    %get3A_149 = arith.constant 2 : index
    %get3A_150 = arith.constant 0 : index
    %get3A_151 = vector.load %arg7[%get3A_149, %get3A_150] : memref<6x2048xi32, #tpu.memory_space<vmem>>, vector<1x2048xi32>
    %add3A_152 = arith.constant 33 : i32
    %add3A_153 = vector.broadcast %add3A_152 : i32 to vector<1x2048xi32>
    %add3A_154 = arith.addi %get3A_151, %add3A_153 : vector<1x2048xi32>
    %eq3A_155 = vector.broadcast %add3A_154 : vector<1x2048xi32> to vector<128x2048xi32>
    %eq3A_156 = arith.cmpi eq, %iota3A, %eq3A_155 : vector<128x2048xi32>
    %convert_element_type3A_157 = arith.extui %eq3A_156 : vector<128x2048xi1> to vector<128x2048xi32>
    %convert_element_type3A_158 = arith.sitofp %convert_element_type3A_157 : vector<128x2048xi32> to vector<128x2048xf32>
    %add3A_159 = arith.addf %add3A_148, %convert_element_type3A_158 : vector<128x2048xf32>
    %get3A_160 = arith.constant 3 : index
    %get3A_161 = arith.constant 0 : index
    %get3A_162 = vector.load %arg7[%get3A_160, %get3A_161] : memref<6x2048xi32, #tpu.memory_space<vmem>>, vector<1x2048xi32>
    %add3A_163 = arith.constant 65 : i32
    %add3A_164 = vector.broadcast %add3A_163 : i32 to vector<1x2048xi32>
    %add3A_165 = arith.addi %get3A_162, %add3A_164 : vector<1x2048xi32>
    %eq3A_166 = vector.broadcast %add3A_165 : vector<1x2048xi32> to vector<128x2048xi32>
    %eq3A_167 = arith.cmpi eq, %iota3A, %eq3A_166 : vector<128x2048xi32>
    %convert_element_type3A_168 = arith.extui %eq3A_167 : vector<128x2048xi1> to vector<128x2048xi32>
    %convert_element_type3A_169 = arith.sitofp %convert_element_type3A_168 : vector<128x2048xi32> to vector<128x2048xf32>
    %add3A_170 = arith.addf %add3A_159, %convert_element_type3A_169 : vector<128x2048xf32>
    %get3A_171 = arith.constant 4 : index
    %get3A_172 = arith.constant 0 : index
    %get3A_173 = vector.load %arg7[%get3A_171, %get3A_172] : memref<6x2048xi32, #tpu.memory_space<vmem>>, vector<1x2048xi32>
    %add3A_174 = arith.constant 89 : i32
    %add3A_175 = vector.broadcast %add3A_174 : i32 to vector<1x2048xi32>
    %add3A_176 = arith.addi %get3A_173, %add3A_175 : vector<1x2048xi32>
    %eq3A_177 = vector.broadcast %add3A_176 : vector<1x2048xi32> to vector<128x2048xi32>
    %eq3A_178 = arith.cmpi eq, %iota3A, %eq3A_177 : vector<128x2048xi32>
    %convert_element_type3A_179 = arith.extui %eq3A_178 : vector<128x2048xi1> to vector<128x2048xi32>
    %convert_element_type3A_180 = arith.sitofp %convert_element_type3A_179 : vector<128x2048xi32> to vector<128x2048xf32>
    %add3A_181 = arith.addf %add3A_170, %convert_element_type3A_180 : vector<128x2048xf32>
    %get3A_182 = arith.constant 5 : index
    %get3A_183 = arith.constant 0 : index
    %get3A_184 = vector.load %arg7[%get3A_182, %get3A_183] : memref<6x2048xi32, #tpu.memory_space<vmem>>, vector<1x2048xi32>
    %add3A_185 = arith.constant 96 : i32
    %add3A_186 = vector.broadcast %add3A_185 : i32 to vector<1x2048xi32>
    %add3A_187 = arith.addi %get3A_184, %add3A_186 : vector<1x2048xi32>
    %eq3A_188 = vector.broadcast %add3A_187 : vector<1x2048xi32> to vector<128x2048xi32>
    %eq3A_189 = arith.cmpi eq, %iota3A, %eq3A_188 : vector<128x2048xi32>
    %convert_element_type3A_190 = arith.extui %eq3A_189 : vector<128x2048xi1> to vector<128x2048xi32>
    %convert_element_type3A_191 = arith.sitofp %convert_element_type3A_190 : vector<128x2048xi32> to vector<128x2048xf32>
    %add3A_192 = arith.addf %add3A_181, %convert_element_type3A_191 : vector<128x2048xf32>
    %dot_general3A_193 = arith.constant dense<0.000000e+00> : vector<1x2048xf32>
    %dot_general3A_194 = tpu.matmul %dot_general3A_125, %add3A_192, %dot_general3A_193 {dimension_numbers = #tpu.dot_dimension_numbers<[1], [0], [0], [1], [0, 0, 1, 1], [], []>, precision = #tpu.contract_precision<fp32>, transpose_lhs_hint = false} : vector<1x128xf32>, vector<128x2048xf32>, vector<1x2048xf32> -> vector<1x2048xf32>
    %add3A_195 = arith.addf %dot_general3A_117, %dot_general3A_194 : vector<1x2048xf32>
    %get3A_196 = arith.constant 9 : index
    %get3A_197 = arith.constant 0 : index
    %get3A_198 = vector.load %arg10[%get3A_196, %get3A_197] : memref<16x32xf32, #tpu.memory_space<vmem>>, vector<1x1xf32>
    %add3A_199 = vector.broadcast %get3A_198 : vector<1x1xf32> to vector<1x2048xf32>
    %add3A_200 = arith.addf %add3A_195, %add3A_199 : vector<1x2048xf32>
    %swap3A = arith.constant 0 : index
    %swap3A_201 = arith.constant 0 : index
    %swap3A_202 = vector.load %arg12[%swap3A, %swap3A_201] : memref<1x2048xf32, #tpu.memory_space<vmem>>, vector<1x2048xf32>
    tpu.vector_store %arg12[%swap3A, %swap3A_201], %add3A_200 {strides = array<i32>} : memref<1x2048xf32, #tpu.memory_space<vmem>>, vector<1x2048xf32>,
    return
  }
  func.func @transform_0(%arg0: i32) -> (i32, i32) {
    %c0_i32 = arith.constant 0 : i32
    %c0_i32_0 = arith.constant 0 : i32
    return %arg0, %c0_i32 : i32, i32
  }
  func.func @transform_1(%arg0: i32) -> (i32, i32) {
    %c0_i32 = arith.constant 0 : i32
    %c0_i32_0 = arith.constant 0 : i32
    return %arg0, %c0_i32 : i32, i32
  }
  func.func @transform_2(%arg0: i32) -> (i32, i32) {
    %c0_i32 = arith.constant 0 : i32
    %c0_i32_0 = arith.constant 0 : i32
    return %arg0, %c0_i32 : i32, i32
  }
  func.func @transform_3(%arg0: i32) -> (i32, i32) {
    %c0_i32 = arith.constant 0 : i32
    %c0_i32_0 = arith.constant 0 : i32
    return %arg0, %c0_i32 : i32, i32
  }
  func.func @transform_4(%arg0: i32) -> (i32, i32) {
    %c0_i32 = arith.constant 0 : i32
    %c0_i32_0 = arith.constant 0 : i32
    return %arg0, %c0_i32 : i32, i32
  }
  func.func @transform_5(%arg0: i32) -> (i32, i32) {
    %c0_i32 = arith.constant 0 : i32
    %c0_i32_0 = arith.constant 0 : i32
    return %arg0, %c0_i32 : i32, i32
  }
  func.func @transform_6(%arg0: i32) -> (i32, i32) {
    %c0_i32 = arith.constant 0 : i32
    %c0_i32_0 = arith.constant 0 : i32
    return %c0_i32, %arg0 : i32, i32
  }
  func.func @transform_7(%arg0: i32) -> (i32, i32) {
    %c0_i32 = arith.constant 0 : i32
    %c0_i32_0 = arith.constant 0 : i32
    %c0_i32_1 = arith.constant 0 : i32
    return %c0_i32, %c0_i32_0 : i32, i32
  }
  func.func @transform_8(%arg0: i32) -> (i32, i32) {
    %c0_i32 = arith.constant 0 : i32
    %c0_i32_0 = arith.constant 0 : i32
    %c0_i32_1 = arith.constant 0 : i32
    return %c0_i32, %c0_i32_0 : i32, i32
  }
  func.func @transform_9(%arg0: i32) -> (i32, i32) {
    %c0_i32 = arith.constant 0 : i32
    %c0_i32_0 = arith.constant 0 : i32
    %c0_i32_1 = arith.constant 0 : i32
    return %c0_i32, %c0_i32_0 : i32, i32
  }
  func.func @transform_10(%arg0: i32) -> (i32, i32) {
    %c0_i32 = arith.constant 0 : i32
    %c0_i32_0 = arith.constant 0 : i32
    %c0_i32_1 = arith.constant 0 : i32
    return %c0_i32, %c0_i32_0 : i32, i32
  }
  func.func @transform_11(%arg0: i32) -> (i32, i32) {
    %c0_i32 = arith.constant 0 : i32
    %c0_i32_0 = arith.constant 0 : i32
    return %c0_i32, %arg0 : i32, i32
  }
}

</mosaic_0001>

<sc_bundles>
// kernel: kernel.10.cloned.1.call-start
scs
__scs_entry_jumppad:
0x0: {  	(pc) =	sbr.rel $0x88, $3  }
0x1: {  	(tag) =	ssettag $0x0;
	lr =	simm.s32 $0x1  }
0x2: {  	[smem:$0x3F8E] =	sst lr;
	_ =	strace $0xD0000000  }
0x3: {  	_ = 	snop  }
0x4: {  	_ = 	snop  }
0x5: {  	_ = 	snop  }
0x6: {  	_ = 	snop  }
0x7: {  	_ = 	snop  }
__scs_overlays_trampoline_lowered:
0x8: {  	[smem:$0x3F9D] =	sst s0  }
0x9: {  	[smem:$0x3F9E] =	sst s1  }
0xa: {  	[smem:$0x3F9F] =	sst s2  }
0xb: {  	[smem:$0x3FA0] =	sst s3  }
0xc: {  	[smem:$0x3FA1] =	sst s4  }
0xd: {  	[smem:$0x3FA2] =	sst s5  }
0xe: {  	[smem:$0x3FA3] =	sst s6  }
0xf: {  	[smem:$0x3FA4] =	sst s7  }
0x10: {  	[smem:$0x3FA5] =	sst s8  }
0x11: {  	[smem:$0x3FA6] =	sst s9;
	s0 =	simm.s32 @!p0 $0x0  }
0x12: {  	s1 =	sld [smem:$0x3F8C];
	s0 =	simm.s32 @p0 $0x1  }
0x13: {  	[smem:$0x3FA7] =	sst s0;
	s0 =	simm.s32 @!p1 $0x0  }
0x14: {  	s2 =	sld [smem:$0x3F8B];
	s0 =	simm.s32 @p1 $0x1  }
0x15: {  	[smem:$0x3FA8] =	sst s0;
	s0 =	simm.s32 @!p2 $0x0  }
0x16: {  	s3 =	sld [smem:$0x3FDB];
	s0 =	simm.s32 @p2 $0x1  }
0x17: {  	s4 =	simm.s32 $0x1BF5;
	[smem:$0x3FAA] =	sst s0  }
0x18: {  	s0 =	sld [smem:$0x3F8D];
	_ =	swait.ge [sflag:s4], $0x0  }
0x19: {  	s7 =	sld [smem:$0x3F8E]  }
0x1a: {  	s8 =	sadd.s32 $0xFFFFE003, lr  }
0x1b: {  	s9 =	sadd.s32 $0xFFFFFEF7, lr;
	s5 =	simm.s32 $0xFFFFFFFF;
	p2 =	slt.u32 s8, $0xFFFFF086  }
0x1c: {  	p1 =	slt.u32 s9, $0xF7A;
	s5 =	simm.s32 @!p2 $0x0  }
0x1d: {  	s5 =	simm.s32 @p1 $0x1;
	p0 =	seq.s32 s7, s2  }
0x1e: {  	s7 =	smul.u32 @!p0 $0xF7A, s2;
	p2 =	seq.s32 @!p0 s5, $0x0  }
0x1f: {  	s9 =	smul.u32 $0xF7A, s1;
	s8 =	simm.s32 @!p0 $0x1BF5;
	p2 =	por !p2, p0  }
0x20: {  	[sflag:s8] =	ssyncset.s32 @!p0 $0xFFFFF086;
	s6 =	sadd.s32 @!p0 s3, s7;
	s7 =	simm.s32 @!p0 $0x108  }
0x21: {  	s3 =	sadd.s32 s3, s9;
	s6 =	sadd.s32 @!p0 $0x88, s6;
	s7 =	simm.s32 @p2 $0x1082  }
0x22: {  	[simem:s7], [sflag:s8] =	dma.local @!p0 [hbm:s6], $0xF7A  }
0x23: {  	s9 =	sor.u32 $0xD0000000, s2;
	s6 =	simm.s32 $0x108;
	_ =	swait.ge @!p0 [sflag:s8], $0x0  }
0x24: {  	s3 =	sadd.s32 $0x88, s3;
	s6 =	simm.s32 @!p1 $0x1082;
	[sflag:s4] =	ssyncset.s32 $0xFFFFF086  }
0x25: {  	[simem:s6], [sflag:s4] =	dma.local [hbm:s3], $0xF7A  }
0x26: {  	[smem:$0x3F8E] =	sst s1;
	(tag) =	ssettag s2;
	_ =	strace s9  }
0x27: {  	s1 =	sld [smem:$0x3F9E]  }
0x28: {  	s2 =	sld [smem:$0x3F9F]  }
0x29: {  	s4 =	sld [smem:$0x3FA1]  }
0x2a: {  	p0 =	seq.s32 s5, $0x0;
	s5 =	sld [smem:$0x3FA2]  }
0x2b: {  	s6 =	sld [smem:$0x3FA3]  }
0x2c: {  	s7 =	sld [smem:$0x3FA4]  }
0x2d: {  	s3 =	simm.s32 $0x108;
	s8 =	sld [smem:$0x3FA5]  }
0x2e: {  	s3 =	simm.s32 @!p0 $0x1082;
	s9 =	sld [smem:$0x3FA6]  }
0x2f: {  	lr =	sadd.s32 s0, s3;
	s0 =	sld [smem:$0x3F9D]  }
0x30: {  	s3 =	sld [smem:$0x3FA0]  }
0x31: {  	[smem:$0x3FA9] =	sst s10  }
0x32: {  	s10 =	sld [smem:$0x3FA7];
	_ =	sdelay $0x3  }
0x33: {  	p0 =	seq.s32 s10, $0x1;
	s10 =	sld [smem:$0x3FA9];
	_ =	sdelay $0x3  }
0x34: {  	[smem:$0x3FA9] =	sst s10  }
0x35: {  	s10 =	sld [smem:$0x3FA8];
	_ =	sdelay $0x3  }
0x36: {  	p1 =	seq.s32 s10, $0x1;
	s10 =	sld [smem:$0x3FA9];
	_ =	sdelay $0x3  }
0x37: {  	[smem:$0x3FA9] =	sst s10  }
0x38: {  	s10 =	sld [smem:$0x3FAA]  }
0x39: {  	_ = 	snop;
	(pc) =	sbr.ind lr, $3  }
0x3a: {  	_ = 	snop  }
0x3b: {  	_ = 	snop  }
0x3c: {  	p2 =	seq.s32 s10, $0x1;
	s10 =	sld [smem:$0x3FA9]  }
0x3d: {  	_ =	shalt  }
0x3e: {  	_ =	shalt  }
0x3f: {  	_ =	shalt  }
0x40: {  	_ =	shalt  }
0x41: {  	_ =	shalt  }
0x42: {  	_ =	shalt  }
0x43: {  	_ =	shalt  }
0x44: {  	_ =	shalt  }
0x45: {  	_ =	shalt  }
0x46: {  	_ =	shalt  }
0x47: {  	_ =	shalt  }
0x48: {  	_ =	shalt  }
0x49: {  	_ =	shalt  }
0x4a: {  	_ =	shalt  }
0x4b: {  	_ =	shalt  }
0x4c: {  	_ =	shalt  }
0x4d: {  	_ =	shalt  }
0x4e: {  	_ =	shalt  }
0x4f: {  	_ =	shalt  }
0x50: {  	_ =	shalt  }
0x51: {  	_ =	shalt  }
0x52: {  	_ =	shalt  }
0x53: {  	_ =	shalt  }
0x54: {  	_ =	shalt  }
0x55: {  	_ =	shalt  }
0x56: {  	_ =	shalt  }
0x57: {  	_ =	shalt  }
0x58: {  	_ =	shalt  }
0x59: {  	_ =	shalt  }
0x5a: {  	_ =	shalt  }
0x5b: {  	_ =	shalt  }
0x5c: {  	_ =	shalt  }
0x5d: {  	_ =	shalt  }
0x5e: {  	_ =	shalt  }
0x5f: {  	_ =	shalt  }
0x60: {  	_ =	shalt  }
0x61: {  	_ =	shalt  }
0x62: {  	_ =	shalt  }
0x63: {  	_ =	shalt  }
0x64: {  	_ =	shalt  }
0x65: {  	_ =	shalt  }
0x66: {  	_ =	shalt  }
0x67: {  	_ =	shalt  }
0x68: {  	_ =	shalt  }
0x69: {  	_ =	shalt  }
0x6a: {  	_ =	shalt  }
0x6b: {  	_ =	shalt  }
0x6c: {  	_ =	shalt  }
0x6d: {  	_ =	shalt  }
0x6e: {  	_ =	shalt  }
0x6f: {  	_ =	shalt  }
0x70: {  	_ =	shalt  }
0x71: {  	_ =	shalt  }
0x72: {  	_ =	shalt  }
0x73: {  	_ =	shalt  }
0x74: {  	_ =	shalt  }
0x75: {  	_ =	shalt  }
0x76: {  	_ =	shalt  }
0x77: {  	_ =	shalt  }
0x78: {  	_ =	shalt  }
0x79: {  	_ =	shalt  }
0x7a: {  	_ =	shalt  }
0x7b: {  	_ =	shalt  }
0x7c: {  	_ =	shalt  }
0x7d: {  	_ =	shalt  }
0x7e: {  	_ =	shalt  }
0x7f: {  	_ =	shalt  }
0x80: {  	_ =	shalt  }
0x81: {  	_ =	shalt  }
0x82: {  	_ =	shalt  }
0x83: {  	_ =	shalt  }
0x84: {  	_ =	shalt  }
0x85: {  	_ =	shalt  }
0x86: {  	_ =	shalt  }
0x87: {  	_ =	shalt  }
.Lfunc_end0:
.L_simem_size_0:
called_computation.1_lowered:
.L_overlay_start_0:
0x88: {  	s2 =	sld [smem:$0x3FD9]  }
0x89: {  	s3 =	sld [smem:$0x3FFE];
	_ =	sdelay $0x1  }
0x8a: {  	s1 =	srdreg.scid  }
0x8b: {  	s0 =	sand.u32 $0x1, s1  }
0x8c: {  	s17 =	sshll.u32 s0, $0xA;
	s2 =	sadd.s32 s3, s2  }
0x8d: {  	s2 =	sadd.s32 s2, s17  }
0x8e: {  	[smem:$0x3FB5] =	sst s2  }
0x8f: {  	_ = 	snop  }
0x90: {  	s2 =	sld [smem:$0x3FC9];
	(tm) =	ssettm $0x1  }
0x91: {  	s18 =	sld [smem:$0x3FFB];
	_ =	sdelay $0x3  }
0x92: {  	_ =	strace s18  }
0x93: {  	s3 =	sld [smem:$0x3FFC];
	_ =	sdelay $0x3  }
0x94: {  	_ =	strace s3  }
0x95: {  	s3 =	sld [smem:$0x3FFD];
	_ =	sdelay $0x3  }
0x96: {  	_ =	strace s3  }
0x97: {  	_ =	strace $0x8FFFFFFF  }
0x98: {  	s19 =	sld [smem:$0x3FDB];
	_ =	sdelay $0x1  }
0x99: {  	s4 =	simm.s32 $_scs_section_size  }
0x9a: {  	s5 =	simm.s32 $_size__tile_overlayer_lowered;
	s6 =	simm.s32 $_tile_overlayer_lowered  }
0x9b: {  	s22 =	simm.s32 $0x1BFF;
	s21 =	sshll.u32 s6, $0x1;
	s3 =	sadd.s32 s4, s19  }
0x9c: {  	s7 =	simm.s32 $0x0;
	s20 =	sshll.u32 s5, $0x1;
	s5 =	sadd.s32 s21, s3  }
0x9d: {  	[timem:s7], [sflag:s22] =	dma.local [hbm:s5], s20  }
0x9e: {  	_ =	swait.ge [sflag:s22], s20  }
0x9f: {  	s4 =	ssub.s32 $0x0, s20;
	[sflag:s22] =	ssyncset.done $0x0  }
0xa0: {  	[sflag:s22] =	ssyncadd.s32 s4;
	_ =	sdelay $0x1  }
0xa1: {  	s23 =	simm.s32 $0x1B8B  }
0xa2: {  	_ =	swait.ge [sflag:s23], $0x1  }
0xa3: {  	[sflag:s23] =	ssyncset.done $0x0  }
0xa4: {  	s25 =	simm.s32 $0x1B8E;
	s24 =	sld [smem:$0x3FFE];
	[sflag:s23] =	ssyncadd.s32 $0xFFFFFFFF  }
0xa5: {  	s26 =	simm.s32 $execute0_lowered;
	[smem:$0x3FD2] =	sst s25  }
0xa6: {  	s5 =	sshll.u32 s26, $0x1;
	_ =	strace $0x80000046;
	[dreg:$0x1] =	wrdreg $0xFFFFFFFF  }
0xa7: {  	s28 =	simm.s32 $_size_execute0_lowered;
	s3 =	sadd.s32 s3, s5;
	[dreg:$0x0] =	wrdreg $0x0  }
0xa8: {  	s5 =	sshll.u32 s28, $0x1;
	[dreg:$0x2] =	wrdreg s3  }
0xa9: {  	[dreg:$0x3] =	wrdreg s5  }
0xaa: {  	[dreg:$0x4] =	wrdreg $0xC0  }
0xab: {  	_ =	task [dreg:s7], $0x5FFFF  }
0xac: {  	[dreg:$0x1] =	wrdreg $0xFFFFFFFF  }
0xad: {  	[dreg:$0x0] =	wrdreg $0x60  }
0xae: {  	[dreg:$0x2] =	wrdreg s24  }
0xaf: {  	[dreg:$0x3] =	wrdreg s2  }
0xb0: {  	[dreg:$0x4] =	wrdreg $0xA  }
0xb1: {  	_ =	task.clear_ibuf [dreg:s7], $0x5FFFF;
	_ =	strace $0x90000046  }
0xb2: {  	s29 =	simm.s32 $0xA;
	_ =	strace $0x80000048  }
0xb3: {  	_ =	swait.ge [sflag:s29], $0x1  }
0xb4: {  	[sflag:s29] =	ssyncadd.s32 $0xFFFFFFFF  }
0xb5: {  	_ =	strace $0x90000048  }
0xb6: {  	_ =	sfence  }
0xb7: {  	s30 =	sld [smem:$0x0];
	_ =	sdelay $0x2  }
0xb8: {  	s31 =	sshll.u32 s1, $0xD;
	s1 =	sshrl.u32 s1, $0x2  }
0xb9: {  	s3 =	sand.u32 $0x4000, s31;
	s1 =	sadd.s32 s1, s30  }
0xba: {  	s0 =	sor.u32 s3, s0;
	s1 =	sshll.u32 s1, $0x11  }
0xbb: {  	s0 =	sor.u32 s1, s0  }
0xbc: {  	s0 =	sadd.s32 $0x8F2B, s0  }
0xbd: {  	[sflag:s0] =	ssyncadd.remote.s32 $0x1  }
0xbe: {  	_ =	sfence.sel $0xFFFF  }
0xbf: {  	[dreg:$0x0] =	wrdreg $0xFFFFFFFF;
	(pc) =	sbr.abs _section_cstart, $3  }
0xc0: {  	[dreg:$0x1] =	wrdreg $0xFFFFFFFF  }
0xc1: {  	_ =	task.clear_ibuf [dreg:s7], $0x2FFFF;
	_ =	strace $0x9FFFFFFF  }
0xc2: {  	(tm) =	ssettm $0x7FFFFFFF  }
0xc3: {  	_ =	shalt  }
tec
execute0_lowered:
.L_overlay_start_1:
0x0: {  	(tag) =	ssettag $0x1  }
0x1: {  	s3 =	rddreg [dreg:$0x0]  }
0x2: {  	s4 =	rddreg [dreg:$0x1]  }
0x3: {  	s0 =	rddreg [dreg:$0x2]  }
0x4: {  	s2 =	simm.s32 $0x0;
	s5 =	srdreg.scid;
	s1 =	stileid.u32  }
0x5: {  	[smem:$0x7FF] =	sst s2;
	s6 =	sand.u32 $0x1, s5;
	s7 =	sshll.u32 s1, $0xA  }
0x6: {  	s5 =	sadd.s32 $0x4A00, s3;
	s8 =	sshll.u32 s6, $0x9;
	s6 =	ssub.s32 $0x2, s6  }
0x7: {  	_ =	strace $0x80000047;
	s7 =	sor.u32 s8, s7;
	s9 =	sshrl.u32 s6, $0x1  }
0x8: {  	s8 =	sshll.u32 s7, $0x4;
	s7 =	sshrl.u32 s7, $0x3;
	s6 =	ssub.s32 s6, s9  }
0x9: {  	s3 =	sadd.s32 s8, s3;
	s16 =	sadd.s32 s4, s7;
	s17 =	smax.u32 s6, $0x1  }
0xa: {  	[tilespmem:s2], [sflag:$0x2] =	stream.linear.gather [hbm4b:s16+s2], $0x200, $0x38;
	[tilespmem:$0x10400] =	vst v63  }
0xb: {  	s4 =	sadd.s32 $0x404A00, s3;
	s3 =	simm.s32 $0x2;
	p0 =	sne.s32 s17, $0x1  }
.Ltmp0:
0xc: {  	s10 =	simm.s32 $0x280;
	_ =	swait.ge [sflag:s3], $0x200;
	(pc) =	sbr.rel @!p0 .LBB2_2-.Ltmp0, $4  }
0xd: {  	s11 =	simm.s32 $0x4400;
	s12 =	simm.s32 $0x300;
	[sflag:s3] =	ssyncset.done $0x0  }
0xe: {  	s13 =	simm.s32 $0x8400;
	s14 =	simm.s32 $0x380;
	[sflag:s3] =	ssyncadd.s32 $0xFFFFFE00  }
0xf: {  	s15 =	simm.s32 $0xC400;
	s9 =	simm.s32 $0x200;
	s7 =	simm.s32 $0x80;
	v0 =	vld [tilespmem:$0x130]  }
0x10: {  	s6 =	simm.s32 $0x400;
	s8 =	simm.s32 $0x1;
	s17 =	sadd.s32 $0xFFFFFFFF, s17;
	v1 =	vld [tilespmem:$0x1C0]  }
.LBB2_1:
0x11: {  	p0 =	sne.s32 s17, $0x1;
	s17 =	sadd.s32 $0xFFFFFFFF, s17;
	v2 =	vld [tilespmem:$0x1D0]  }
0x12: {  	v3 =	vld [tilespmem:$0x1E0]  }
0x13: {  	v4 =	vld [tilespmem:$0x20]  }
0x14: {  	v5 =	vld [tilespmem:$0x0]  }
0x15: {  	v6 =	vld [tilespmem:$0x40]  }
0x16: {  	v2 =	vand.u32 $0x3FFFF, v2;
	v7 =	vld [tilespmem:$0x1F0]  }
0x17: {  	v1 =	vand.u32 $0x3FFFF, v1;
	v8 =	vld [tilespmem:$0x170];
	[tilespmem:$0x3D0] =	vst v2;
	v2 =	vand.u32 $0x3FFFF, v3  }
0x18: {  	v0 =	vand.u32 $0x3FFFF, v0;
	v3 =	vand.u32 $0x3FFFF, v4;
	v4 =	vld [tilespmem:$0x190];
	[tilespmem:$0x3E0] =	vst v2  }
0x19: {  	v2 =	vand.u32 $0x3FFFF, v5;
	[tilespmem:$0x220] =	vst v3;
	v3 =	vld [tilespmem:$0x180]  }
0x1a: {  	[tilespmem:$0x200] =	vst v2;
	v2 =	vld [tilespmem:$0x80]  }
0x1b: {  	v5 =	vld [tilespmem:$0x50];
	[tilespmem:$0x330] =	vst v0;
	v0 =	vand.u32 $0x3FFFF, v7  }
0x1c: {  	v7 =	vld [tilespmem:$0x60];
	v8 =	vand.u32 $0x3FFFF, v8;
	[tilespmem:$0x3C0] =	vst v1  }
0x1d: {  	v1 =	vld [tilespmem:$0x70];
	v4 =	vand.u32 $0x3FFFF, v4;
	[tilespmem:$0x3F0] =	vst v0  }
0x1e: {  	v0 =	vand.u32 $0x3FFFF, v6;
	v6 =	vld [tilespmem:$0x160];
	[tilespmem:$0x370] =	vst v8;
	v3 =	vand.u32 $0x3FFFF, v3  }
0x1f: {  	v8 =	vld [tilespmem:$0x90];
	[tilespmem:$0x390] =	vst v4  }
0x20: {  	v4 =	vand.u32 $0x3FFFF, v5;
	v5 =	vld [tilespmem:$0x150];
	[tilespmem:$0x380] =	vst v3  }
0x21: {  	[tilespmem:$0x240] =	vst v0;
	v0 =	vand.u32 $0x3FFFF, v7;
	v3 =	vld [tilespmem:$0xA0]  }
0x22: {  	[tilespmem:$0x250] =	vst v4;
	v1 =	vand.u32 $0x3FFFF, v1;
	v4 =	vld [tilespmem:$0x140]  }
0x23: {  	v7 =	vld [tilespmem:$0x30];
	[tilespmem:$0x260] =	vst v0;
	v0 =	vand.u32 $0x3FFFF, v2;
	v2 =	vand.u32 $0x3FFFF, v6  }
0x24: {  	[tilespmem:$0x270] =	vst v1;
	v1 =	vld [tilespmem:$0xB0]  }
0x25: {  	v6 =	vand.u32 $0x3FFFF, v8;
	v8 =	vld [tilespmem:$0xC0];
	v5 =	vand.u32 $0x3FFFF, v5;
	[tilespmem:$0x360] =	vst v2  }
0x26: {  	[tilespmem:$0x280] =	vst v0;
	v0 =	vand.u32 $0x3FFFF, v3;
	v2 =	vld [tilespmem:$0x120]  }
0x27: {  	v3 =	vld [tilespmem:$0xD0];
	v4 =	vand.u32 $0x3FFFF, v4;
	[tilespmem:$0x350] =	vst v5  }
0x28: {  	v5 =	vand.u32 $0x3FFFF, v7;
	[tilespmem:$0x2A0] =	vst v0;
	v0 =	vld [tilespmem:$0x110]  }
0x29: {  	v1 =	vand.u32 $0x3FFFF, v1;
	v7 =	vld [tilespmem:$0xE0];
	[tilespmem:$0x340] =	vst v4  }
0x2a: {  	[tilespmem:$0x230] =	vst v5;
	v4 =	vand.u32 $0x3FFFF, v8;
	v5 =	vld [tilespmem:$0x100]  }
0x2b: {  	[tilespmem:$0x2B0] =	vst v1;
	v1 =	vand.u32 $0x3FFFF, v2  }
0x2c: {  	[tilespmem:$0x2C0] =	vst v4;
	v2 =	vand.u32 $0x3FFFF, v3;
	v3 =	vld [tilespmem:$0xF0]  }
0x2d: {  	v4 =	vld [tilespmem:$0x10];
	v0 =	vand.u32 $0x3FFFF, v0;
	[tilespmem:$0x320] =	vst v1  }
0x2e: {  	[tilespmem:$0x2D0] =	vst v2;
	v1 =	vand.u32 $0x3FFFF, v7;
	v2 =	vld [tilespmem:$0x1A0]  }
0x2f: {  	v5 =	vand.u32 $0x3FFFF, v5;
	[tilespmem:$0x310] =	vst v0;
	v0 =	vld [tilespmem:$0x1B0]  }
0x30: {  	[tilespmem:$0x2E0] =	vst v1  }
0x31: {  	v1 =	vand.u32 $0x3FFFF, v3;
	[tilespmem:$0x300] =	vst v5  }
0x32: {  	v3 =	vand.u32 $0x3FFFF, v4;
	[tilespmem:$0x290] =	vst v6  }
0x33: {  	[tilespmem:$0x2F0] =	vst v1;
	v1 =	vand.u32 $0x3FFFF, v2  }
0x34: {  	[tilespmem:$0x3A0] =	vst v1;
	v0 =	vand.u32 $0x3FFFF, v0  }
0x35: {  	[tilespmem:$0x3B0] =	vst v0  }
0x36: {  	[tilespmem:$0x210] =	vst v3  }
0x37: {  	[tilespmem:s6], [sflag:$0x1] =	stream.indirect.gather [hbm4b:s5+s7], $0x80, s9, s7, $0xb8;
	[tilespmem:$0x10400] =	vst v63  }
0x38: {  	_ = 	snop  }
0x39: {  	[tilespmem:s11], [sflag:$0x1] =	stream.indirect.gather [hbm4b:s5+s7], $0x80, s10, s7, $0xb8;
	[tilespmem:$0x10400] =	vst v63  }
0x3a: {  	_ = 	snop  }
0x3b: {  	[tilespmem:s13], [sflag:$0x1] =	stream.indirect.gather [hbm4b:s5+s7], $0x80, s12, s7, $0xb8;
	[tilespmem:$0x10400] =	vst v63  }
0x3c: {  	_ = 	snop  }
0x3d: {  	[tilespmem:s15], [sflag:$0x1] =	stream.indirect.gather [hbm4b:s5+s7], $0x80, s14, s7, $0xb8;
	[tilespmem:$0x10400] =	vst v63  }
0x3e: {  	_ =	swait.ge [sflag:s8], $0x4000  }
0x3f: {  	[sflag:s8] =	ssyncset.done $0x0  }
0x40: {  	[sflag:s8] =	ssyncadd.s32 $0xFFFFC000  }
0x41: {  	_ =	swait.ge [sflag:s8], $0x4000  }
0x42: {  	[sflag:s8] =	ssyncset.done $0x0  }
0x43: {  	[sflag:s8] =	ssyncadd.s32 $0xFFFFC000  }
0x44: {  	_ =	swait.ge [sflag:s8], $0x4000  }
0x45: {  	[sflag:s8] =	ssyncset.done $0x0  }
0x46: {  	[sflag:s8] =	ssyncadd.s32 $0xFFFFC000  }
0x47: {  	_ =	swait.ge [sflag:s8], $0x4000  }
0x48: {  	[sflag:s8] =	ssyncset.done $0x0  }
0x49: {  	[sflag:s8] =	ssyncadd.s32 $0xFFFFC000  }
0x4a: {  	[hbm4b:s4+s2] =	stream.linear.scatter [tilespmem:s6], [sflag:$0x2], $0x10000, $0x38;
	[tilespmem:$0x10400] =	vst v63  }
0x4b: {  	_ =	swait.ge [sflag:s3], $0x10000  }
0x4c: {  	[sflag:s3] =	ssyncset.done $0x0  }
0x4d: {  	[sflag:s3] =	ssyncadd.s32 $0xFFFF0000  }
0x4e: {  	[tilespmem:s2], [sflag:$0x2] =	stream.linear.gather [hbm4b:s16+s2], $0x200, $0x38;
	[tilespmem:$0x10400] =	vst v63  }
.Ltmp1:
0x4f: {  	_ =	swait.ge [sflag:s3], $0x200;
	(pc) =	sbr.rel @p0 .LBB2_1-.Ltmp1, $4  }
0x50: {  	[sflag:s3] =	ssyncset.done $0x0  }
0x51: {  	[sflag:s3] =	ssyncadd.s32 $0xFFFFFE00  }
0x52: {  	v0 =	vld [tilespmem:$0x130]  }
0x53: {  	v1 =	vld [tilespmem:$0x1C0]  }
.LBB2_2:
0x54: {  	v2 =	vld [tilespmem:$0x1D0]  }
0x55: {  	v3 =	vld [tilespmem:$0x1E0]  }
0x56: {  	v4 =	vld [tilespmem:$0x20]  }
0x57: {  	v5 =	vld [tilespmem:$0x0];
	v0 =	vand.u32 $0x3FFFF, v0  }
0x58: {  	v6 =	vld [tilespmem:$0x1F0];
	v1 =	vand.u32 $0x3FFFF, v1;
	[tilespmem:$0x330] =	vst v0  }
0x59: {  	v29 =	vld [tilespmem:$0x170];
	v2 =	vand.u32 $0x3FFFF, v2;
	[tilespmem:$0x3C0] =	vst v1  }
0x5a: {  	v33 =	vld [tilespmem:$0x50];
	v28 =	vand.u32 $0x3FFFF, v3;
	[tilespmem:$0x3D0] =	vst v2  }
0x5b: {  	v34 =	vld [tilespmem:$0x60];
	v4 =	vand.u32 $0x3FFFF, v4;
	[tilespmem:$0x3E0] =	vst v28  }
0x5c: {  	v35 =	vld [tilespmem:$0x70];
	v5 =	vand.u32 $0x3FFFF, v5;
	[tilespmem:$0x220] =	vst v4  }
0x5d: {  	v37 =	vld [tilespmem:$0x80];
	v6 =	vand.u32 $0x3FFFF, v6;
	[tilespmem:$0x200] =	vst v5  }
0x5e: {  	v39 =	vld [tilespmem:$0xA0];
	v3 =	vand.u32 $0x3FFFF, v29;
	[tilespmem:$0x3F0] =	vst v6  }
0x5f: {  	v42 =	vld [tilespmem:$0x30];
	v0 =	vand.u32 $0x3FFFF, v33;
	[tilespmem:$0x370] =	vst v3  }
0x60: {  	v45 =	vld [tilespmem:$0xC0];
	v1 =	vand.u32 $0x3FFFF, v34;
	[tilespmem:$0x250] =	vst v0  }
0x61: {  	v48 =	vld [tilespmem:$0xD0];
	v40 =	vand.u32 $0x3FFFF, v35;
	[tilespmem:$0x260] =	vst v1  }
0x62: {  	v51 =	vld [tilespmem:$0xE0];
	v43 =	vand.u32 $0x3FFFF, v37;
	[tilespmem:$0x270] =	vst v40  }
0x63: {  	v56 =	vld [tilespmem:$0xF0];
	v46 =	vand.u32 $0x3FFFF, v39;
	[tilespmem:$0x280] =	vst v43  }
0x64: {  	v59 =	vld [tilespmem:$0x1B0];
	v49 =	vand.u32 $0x3FFFF, v42;
	[tilespmem:$0x2A0] =	vst v46  }
0x65: {  	v60 =	vld [tilespmem:$0x10];
	v52 =	vand.u32 $0x3FFFF, v45;
	[tilespmem:$0x230] =	vst v49  }
0x66: {  	v30 =	vld [tilespmem:$0x190];
	v55 =	vand.u32 $0x3FFFF, v48;
	[tilespmem:$0x2C0] =	vst v52  }
0x67: {  	v31 =	vld [tilespmem:$0x180];
	v58 =	vand.u32 $0x3FFFF, v51;
	[tilespmem:$0x2D0] =	vst v55  }
0x68: {  	v32 =	vld [tilespmem:$0x40];
	v61 =	vand.u32 $0x3FFFF, v56;
	[tilespmem:$0x2E0] =	vst v58  }
0x69: {  	v36 =	vld [tilespmem:$0x160];
	v62 =	vand.u32 $0x3FFFF, v59;
	[tilespmem:$0x2F0] =	vst v61  }
0x6a: {  	v41 =	vld [tilespmem:$0x140];
	v63 =	vand.u32 $0x3FFFF, v60;
	[tilespmem:$0x3B0] =	vst v62  }
0x6b: {  	v50 =	vld [tilespmem:$0x110];
	v2 =	vand.u32 $0x3FFFF, v30;
	[tilespmem:$0x210] =	vst v63  }
0x6c: {  	v57 =	vld [tilespmem:$0x1A0];
	v4 =	vand.u32 $0x3FFFF, v31;
	[tilespmem:$0x390] =	vst v2  }
0x6d: {  	v38 =	vld [tilespmem:$0x150];
	v5 =	vand.u32 $0x3FFFF, v32;
	[tilespmem:$0x380] =	vst v4  }
0x6e: {  	v44 =	vld [tilespmem:$0xB0];
	v3 =	vand.u32 $0x3FFFF, v36;
	[tilespmem:$0x240] =	vst v5  }
0x6f: {  	v47 =	vld [tilespmem:$0x120];
	v6 =	vand.u32 $0x3FFFF, v41;
	[tilespmem:$0x360] =	vst v3  }
0x70: {  	v53 =	vld [tilespmem:$0x100];
	v1 =	vand.u32 $0x3FFFF, v50;
	[tilespmem:$0x340] =	vst v6  }
0x71: {  	v54 =	vld [tilespmem:$0x90];
	v0 =	vand.u32 $0x3FFFF, v57;
	[tilespmem:$0x310] =	vst v1  }
0x72: {  	v4 =	vand.u32 $0x3FFFF, v38;
	[tilespmem:$0x3A0] =	vst v0  }
0x73: {  	v2 =	vand.u32 $0x3FFFF, v44;
	[tilespmem:$0x350] =	vst v4  }
0x74: {  	v5 =	vand.u32 $0x3FFFF, v47;
	[tilespmem:$0x2B0] =	vst v2  }
0x75: {  	v3 =	vand.u32 $0x3FFFF, v53;
	[tilespmem:$0x320] =	vst v5  }
0x76: {  	v2 =	vand.u32 $0x3FFFF, v54;
	[tilespmem:$0x300] =	vst v3  }
0x77: {  	[tilespmem:$0x290] =	vst v2  }
0x78: {  	[tilespmem:s6], [sflag:$0x1] =	stream.indirect.gather [hbm4b:s5+s7], $0x80, s9, s7, $0xb8;
	[tilespmem:$0x10400] =	vst v63  }
0x79: {  	_ = 	snop  }
0x7a: {  	[tilespmem:s11], [sflag:$0x1] =	stream.indirect.gather [hbm4b:s5+s7], $0x80, s10, s7, $0xb8;
	[tilespmem:$0x10400] =	vst v63  }
0x7b: {  	_ = 	snop  }
0x7c: {  	[tilespmem:s13], [sflag:$0x1] =	stream.indirect.gather [hbm4b:s5+s7], $0x80, s12, s7, $0xb8;
	[tilespmem:$0x10400] =	vst v63  }
0x7d: {  	_ = 	snop  }
0x7e: {  	[tilespmem:s15], [sflag:$0x1] =	stream.indirect.gather [hbm4b:s5+s7], $0x80, s14, s7, $0xb8;
	[tilespmem:$0x10400] =	vst v63  }
0x7f: {  	_ =	swait.ge [sflag:s8], $0x4000  }
0x80: {  	[sflag:s8] =	ssyncset.done $0x0  }
0x81: {  	[sflag:s8] =	ssyncadd.s32 $0xFFFFC000  }
0x82: {  	_ =	swait.ge [sflag:s8], $0x4000  }
0x83: {  	[sflag:s8] =	ssyncset.done $0x0  }
0x84: {  	[sflag:s8] =	ssyncadd.s32 $0xFFFFC000  }
0x85: {  	_ =	swait.ge [sflag:s8], $0x4000  }
0x86: {  	[sflag:s8] =	ssyncset.done $0x0  }
0x87: {  	[sflag:s8] =	ssyncadd.s32 $0xFFFFC000  }
0x88: {  	_ =	swait.ge [sflag:s8], $0x4000  }
0x89: {  	[sflag:s8] =	ssyncset.done $0x0  }
0x8a: {  	[sflag:s8] =	ssyncadd.s32 $0xFFFFC000  }
0x8b: {  	[hbm4b:s4+s2] =	stream.linear.scatter [tilespmem:s6], [sflag:$0x2], $0x10000, $0x38;
	[tilespmem:$0x10400] =	vst v63  }
0x8c: {  	_ =	swait.ge [sflag:s3], $0x10000  }
0x8d: {  	[sflag:s3] =	ssyncset.done $0x0  }
0x8e: {  	[sflag:s3] =	ssyncadd.s32 $0xFFFF0000  }
0x8f: {  	_ =	sfence.sel $0x180000  }
0x90: {  	[bflag:$0x0] =	sbarrier.arrive $0xFFFF  }
0x91: {  	p0 =	sne.s32 s1, $0x0;
	_ =	strace $0x90000047  }
0x92: {  	s0 =	sadd.s32 @!p0 $0x100000, s0;
	[bflag:$0x2] =	sbarrier.arrive $0xFFFF  }
0x93: {  	[sflag:s0] =	ssyncadd.tile.s32 @!p0 $0x1;
	_ =	shalt  }
.Lfunc_end2:
_tile_overlayer_lowered:
.L_overlay_start_2:
0x94: {  	(tag) =	ssettag $0x2  }
0x95: {  	s0 =	rddreg [dreg:$0x0];
	s2 =	stileid.u32  }
0x96: {  	s1 =	rddreg [dreg:$0x1];
	p0 =	sne.s32 s2, $0x0  }
0x97: {  	s3 =	rddreg [dreg:$0x2];
	[bflag:$0x3] =	sbarrier.arrive $0xFFFF;
	s2 =	simm.s32 @!p0 $0x1C02  }
0x98: {  	[timem:s3], [sflag:s2] =	dma.local @!p0 [hbm:s0], s1  }
0x99: {  	s0 =	simm.s32 @!p0 $0x2  }
0x9a: {  	_ =	swait.ge @!p0 [sflag:s0], s1  }
0x9b: {  	s1 =	ssub.s32 @!p0 $0x0, s1;
	[sflag:s0] =	ssyncset.done @!p0 $0x0  }
0x9c: {  	[sflag:s0] =	ssyncadd.s32 @!p0 s1  }
0x9d: {  	[bflag:$0x3] =	sbarrier.arrive $0xFFFF  }
0x9e: {  	_ =	shalt  }

// kernel: kernel.7.cloned.1.call-start
scs
__scs_entry_jumppad:
0x0: {  	(pc) =	sbr.rel $0x88, $3  }
0x1: {  	(tag) =	ssettag $0x0;
	lr =	simm.s32 $0x1  }
0x2: {  	[smem:$0x3F8E] =	sst lr;
	_ =	strace $0xD0000000  }
0x3: {  	_ = 	snop  }
0x4: {  	_ = 	snop  }
0x5: {  	_ = 	snop  }
0x6: {  	_ = 	snop  }
0x7: {  	_ = 	snop  }
__scs_overlays_trampoline_lowered:
0x8: {  	[smem:$0x3F9D] =	sst s0  }
0x9: {  	[smem:$0x3F9E] =	sst s1  }
0xa: {  	[smem:$0x3F9F] =	sst s2  }
0xb: {  	[smem:$0x3FA0] =	sst s3  }
0xc: {  	[smem:$0x3FA1] =	sst s4  }
0xd: {  	[smem:$0x3FA2] =	sst s5  }
0xe: {  	[smem:$0x3FA3] =	sst s6  }
0xf: {  	[smem:$0x3FA4] =	sst s7  }
0x10: {  	[smem:$0x3FA5] =	sst s8  }
0x11: {  	[smem:$0x3FA6] =	sst s9;
	s0 =	simm.s32 @!p0 $0x0  }
0x12: {  	s1 =	sld [smem:$0x3F8C];
	s0 =	simm.s32 @p0 $0x1  }
0x13: {  	[smem:$0x3FA7] =	sst s0;
	s0 =	simm.s32 @!p1 $0x0  }
0x14: {  	s2 =	sld [smem:$0x3F8B];
	s0 =	simm.s32 @p1 $0x1  }
0x15: {  	[smem:$0x3FA8] =	sst s0;
	s0 =	simm.s32 @!p2 $0x0  }
0x16: {  	s3 =	sld [smem:$0x3FDB];
	s0 =	simm.s32 @p2 $0x1  }
0x17: {  	s4 =	simm.s32 $0x1BF5;
	[smem:$0x3FAA] =	sst s0  }
0x18: {  	s0 =	sld [smem:$0x3F8D];
	_ =	swait.ge [sflag:s4], $0x0  }
0x19: {  	s7 =	sld [smem:$0x3F8E]  }
0x1a: {  	s8 =	sadd.s32 $0xFFFFE003, lr  }
0x1b: {  	s9 =	sadd.s32 $0xFFFFFEF7, lr;
	s5 =	simm.s32 $0xFFFFFFFF;
	p2 =	slt.u32 s8, $0xFFFFF086  }
0x1c: {  	p1 =	slt.u32 s9, $0xF7A;
	s5 =	simm.s32 @!p2 $0x0  }
0x1d: {  	s5 =	simm.s32 @p1 $0x1;
	p0 =	seq.s32 s7, s2  }
0x1e: {  	s7 =	smul.u32 @!p0 $0xF7A, s2;
	p2 =	seq.s32 @!p0 s5, $0x0  }
0x1f: {  	s9 =	smul.u32 $0xF7A, s1;
	s8 =	simm.s32 @!p0 $0x1BF5;
	p2 =	por !p2, p0  }
0x20: {  	[sflag:s8] =	ssyncset.s32 @!p0 $0xFFFFF086;
	s6 =	sadd.s32 @!p0 s3, s7;
	s7 =	simm.s32 @!p0 $0x108  }
0x21: {  	s3 =	sadd.s32 s3, s9;
	s6 =	sadd.s32 @!p0 $0x88, s6;
	s7 =	simm.s32 @p2 $0x1082  }
0x22: {  	[simem:s7], [sflag:s8] =	dma.local @!p0 [hbm:s6], $0xF7A  }
0x23: {  	s9 =	sor.u32 $0xD0000000, s2;
	s6 =	simm.s32 $0x108;
	_ =	swait.ge @!p0 [sflag:s8], $0x0  }
0x24: {  	s3 =	sadd.s32 $0x88, s3;
	s6 =	simm.s32 @!p1 $0x1082;
	[sflag:s4] =	ssyncset.s32 $0xFFFFF086  }
0x25: {  	[simem:s6], [sflag:s4] =	dma.local [hbm:s3], $0xF7A  }
0x26: {  	[smem:$0x3F8E] =	sst s1;
	(tag) =	ssettag s2;
	_ =	strace s9  }
0x27: {  	s1 =	sld [smem:$0x3F9E]  }
0x28: {  	s2 =	sld [smem:$0x3F9F]  }
0x29: {  	s4 =	sld [smem:$0x3FA1]  }
0x2a: {  	p0 =	seq.s32 s5, $0x0;
	s5 =	sld [smem:$0x3FA2]  }
0x2b: {  	s6 =	sld [smem:$0x3FA3]  }
0x2c: {  	s7 =	sld [smem:$0x3FA4]  }
0x2d: {  	s3 =	simm.s32 $0x108;
	s8 =	sld [smem:$0x3FA5]  }
0x2e: {  	s3 =	simm.s32 @!p0 $0x1082;
	s9 =	sld [smem:$0x3FA6]  }
0x2f: {  	lr =	sadd.s32 s0, s3;
	s0 =	sld [smem:$0x3F9D]  }
0x30: {  	s3 =	sld [smem:$0x3FA0]  }
0x31: {  	[smem:$0x3FA9] =	sst s10  }
0x32: {  	s10 =	sld [smem:$0x3FA7];
	_ =	sdelay $0x3  }
0x33: {  	p0 =	seq.s32 s10, $0x1;
	s10 =	sld [smem:$0x3FA9];
	_ =	sdelay $0x3  }
0x34: {  	[smem:$0x3FA9] =	sst s10  }
0x35: {  	s10 =	sld [smem:$0x3FA8];
	_ =	sdelay $0x3  }
0x36: {  	p1 =	seq.s32 s10, $0x1;
	s10 =	sld [smem:$0x3FA9];
	_ =	sdelay $0x3  }
0x37: {  	[smem:$0x3FA9] =	sst s10  }
0x38: {  	s10 =	sld [smem:$0x3FAA]  }
0x39: {  	_ = 	snop;
	(pc) =	sbr.ind lr, $3  }
0x3a: {  	_ = 	snop  }
0x3b: {  	_ = 	snop  }
0x3c: {  	p2 =	seq.s32 s10, $0x1;
	s10 =	sld [smem:$0x3FA9]  }
0x3d: {  	_ =	shalt  }
0x3e: {  	_ =	shalt  }
0x3f: {  	_ =	shalt  }
0x40: {  	_ =	shalt  }
0x41: {  	_ =	shalt  }
0x42: {  	_ =	shalt  }
0x43: {  	_ =	shalt  }
0x44: {  	_ =	shalt  }
0x45: {  	_ =	shalt  }
0x46: {  	_ =	shalt  }
0x47: {  	_ =	shalt  }
0x48: {  	_ =	shalt  }
0x49: {  	_ =	shalt  }
0x4a: {  	_ =	shalt  }
0x4b: {  	_ =	shalt  }
0x4c: {  	_ =	shalt  }
0x4d: {  	_ =	shalt  }
0x4e: {  	_ =	shalt  }
0x4f: {  	_ =	shalt  }
0x50: {  	_ =	shalt  }
0x51: {  	_ =	shalt  }
0x52: {  	_ =	shalt  }
0x53: {  	_ =	shalt  }
0x54: {  	_ =	shalt  }
0x55: {  	_ =	shalt  }
0x56: {  	_ =	shalt  }
0x57: {  	_ =	shalt  }
0x58: {  	_ =	shalt  }
0x59: {  	_ =	shalt  }
0x5a: {  	_ =	shalt  }
0x5b: {  	_ =	shalt  }
0x5c: {  	_ =	shalt  }
0x5d: {  	_ =	shalt  }
0x5e: {  	_ =	shalt  }
0x5f: {  	_ =	shalt  }
0x60: {  	_ =	shalt  }
0x61: {  	_ =	shalt  }
0x62: {  	_ =	shalt  }
0x63: {  	_ =	shalt  }
0x64: {  	_ =	shalt  }
0x65: {  	_ =	shalt  }
0x66: {  	_ =	shalt  }
0x67: {  	_ =	shalt  }
0x68: {  	_ =	shalt  }
0x69: {  	_ =	shalt  }
0x6a: {  	_ =	shalt  }
0x6b: {  	_ =	shalt  }
0x6c: {  	_ =	shalt  }
0x6d: {  	_ =	shalt  }
0x6e: {  	_ =	shalt  }
0x6f: {  	_ =	shalt  }
0x70: {  	_ =	shalt  }
0x71: {  	_ =	shalt  }
0x72: {  	_ =	shalt  }
0x73: {  	_ =	shalt  }
0x74: {  	_ =	shalt  }
0x75: {  	_ =	shalt  }
0x76: {  	_ =	shalt  }
0x77: {  	_ =	shalt  }
0x78: {  	_ =	shalt  }
0x79: {  	_ =	shalt  }
0x7a: {  	_ =	shalt  }
0x7b: {  	_ =	shalt  }
0x7c: {  	_ =	shalt  }
0x7d: {  	_ =	shalt  }
0x7e: {  	_ =	shalt  }
0x7f: {  	_ =	shalt  }
0x80: {  	_ =	shalt  }
0x81: {  	_ =	shalt  }
0x82: {  	_ =	shalt  }
0x83: {  	_ =	shalt  }
0x84: {  	_ =	shalt  }
0x85: {  	_ =	shalt  }
0x86: {  	_ =	shalt  }
0x87: {  	_ =	shalt  }
.Lfunc_end0:
.L_simem_size_0:
called_computation_lowered:
.L_overlay_start_0:
0x88: {  	s2 =	sld [smem:$0x3FD9]  }
0x89: {  	s3 =	sld [smem:$0x3FFE];
	_ =	sdelay $0x1  }
0x8a: {  	s1 =	srdreg.scid  }
0x8b: {  	s0 =	sand.u32 $0x1, s1  }
0x8c: {  	s17 =	sshll.u32 s0, $0xA;
	s2 =	sadd.s32 s3, s2  }
0x8d: {  	s2 =	sadd.s32 s2, s17  }
0x8e: {  	[smem:$0x3FB5] =	sst s2  }
0x8f: {  	_ = 	snop  }
0x90: {  	s18 =	sld [smem:$0x3FC8];
	(tm) =	ssettm $0x1  }
0x91: {  	s19 =	sld [smem:$0x3FFB];
	_ =	sdelay $0x3  }
0x92: {  	_ =	strace s19  }
0x93: {  	s2 =	sld [smem:$0x3FFC];
	_ =	sdelay $0x3  }
0x94: {  	_ =	strace s2  }
0x95: {  	s2 =	sld [smem:$0x3FFD];
	_ =	sdelay $0x3  }
0x96: {  	_ =	strace s2  }
0x97: {  	_ =	strace $0x8FFFFFFF  }
0x98: {  	s20 =	sld [smem:$0x3FDB];
	_ =	sdelay $0x1  }
0x99: {  	s4 =	simm.s32 $_scs_section_size  }
0x9a: {  	s5 =	simm.s32 $_size__tile_overlayer_lowered;
	s6 =	simm.s32 $_tile_overlayer_lowered  }
0x9b: {  	s7 =	simm.s32 $0x1BFF;
	s21 =	sshll.u32 s6, $0x1;
	s4 =	sadd.s32 s4, s20  }
0x9c: {  	s22 =	simm.s32 $0x0;
	s5 =	sshll.u32 s5, $0x1;
	s6 =	sadd.s32 s21, s4  }
0x9d: {  	[timem:s22], [sflag:s7] =	dma.local [hbm:s6], s5  }
0x9e: {  	_ =	swait.ge [sflag:s7], s5  }
0x9f: {  	s5 =	ssub.s32 $0x0, s5;
	[sflag:s7] =	ssyncset.done $0x0  }
0xa0: {  	[sflag:s7] =	ssyncadd.s32 s5;
	_ =	sdelay $0x1  }
0xa1: {  	s23 =	simm.s32 $0x1B8B  }
0xa2: {  	_ =	swait.ge [sflag:s23], $0x1  }
0xa3: {  	[sflag:s23] =	ssyncset.done $0x0  }
0xa4: {  	[sflag:s23] =	ssyncadd.s32 $0xFFFFFFFF  }
0xa5: {  	s5 =	sld [smem:$0x0]  }
0xa6: {  	s6 =	sand.u32 $0xFFFFFFFE, s1  }
0xa7: {  	p0 =	sne.s32 s1, s6  }
0xa8: {  	s6 =	sshll.u32 @p0 s6, $0xE  }
0xa9: {  	s6 =	sadd.s32 @p0 $0x11B8D, s6;
	s7 =	sshll.u32 @p0 s5, $0x11  }
0xaa: {  	s6 =	sor.u32 @p0 s7, s6  }
0xab: {  	[sflag:s6] =	ssyncadd.remote.s32 @p0 $0x1;
	_ =	sdelay $0x1  }
0xac: {  	s6 =	simm.s32 @p0 $0x1B8D  }
0xad: {  	_ =	swait.eq @p0 [sflag:s6], $0x1  }
0xae: {  	[sflag:s6] =	ssyncadd.s32 @p0 $0xFFFFFFFF  }
0xaf: {  	s7 =	sshll.u32 @!p0 s1, $0xE  }
0xb0: {  	s7 =	sor.u32 @!p0 $0x4000, s7;
	s6 =	simm.s32 @!p0 $0x1B8D  }
0xb1: {  	s5 =	sshll.u32 @!p0 s5, $0x11;
	s7 =	sadd.s32 @!p0 $0x11B8D, s7;
	_ =	swait.eq @!p0 [sflag:s6], $0x1  }
0xb2: {  	s5 =	sor.u32 @!p0 s5, s7;
	[sflag:s6] =	ssyncadd.s32 @!p0 $0xFFFFFFFF  }
0xb3: {  	s25 =	simm.s32 $0x1B8E;
	s24 =	sld [smem:$0x3FFE];
	[sflag:s5] =	ssyncadd.remote.s32 @!p0 $0x1  }
0xb4: {  	s26 =	simm.s32 $execute0_lowered;
	[smem:$0x3FD2] =	sst s25  }
0xb5: {  	s6 =	sshll.u32 s26, $0x1;
	_ =	strace $0x80000049;
	[dreg:$0x1] =	wrdreg $0xFFFFFFFF  }
0xb6: {  	s28 =	simm.s32 $_size_execute0_lowered;
	s4 =	sadd.s32 s4, s6;
	[dreg:$0x0] =	wrdreg $0x0  }
0xb7: {  	s6 =	sshll.u32 s28, $0x1;
	[dreg:$0x2] =	wrdreg s4  }
0xb8: {  	[dreg:$0x3] =	wrdreg s6  }
0xb9: {  	[dreg:$0x4] =	wrdreg $0xC0  }
0xba: {  	_ =	task [dreg:s22], $0x5FFFF  }
0xbb: {  	[dreg:$0x1] =	wrdreg $0xFFFFFFFF  }
0xbc: {  	[dreg:$0x0] =	wrdreg $0x60  }
0xbd: {  	[dreg:$0x2] =	wrdreg s24  }
0xbe: {  	[dreg:$0x3] =	wrdreg s18  }
0xbf: {  	[dreg:$0x4] =	wrdreg $0x9  }
0xc0: {  	_ =	task.clear_ibuf [dreg:s22], $0x5FFFF;
	_ =	strace $0x90000049  }
0xc1: {  	s29 =	simm.s32 $0x9;
	_ =	strace $0x8000004B  }
0xc2: {  	_ =	swait.ge [sflag:s29], $0x1  }
0xc3: {  	[sflag:s29] =	ssyncadd.s32 $0xFFFFFFFF  }
0xc4: {  	_ =	strace $0x9000004B  }
0xc5: {  	_ =	sfence  }
0xc6: {  	s30 =	sld [smem:$0x0];
	_ =	sdelay $0x2  }
0xc7: {  	s31 =	sshll.u32 s1, $0xD;
	s1 =	sshrl.u32 s1, $0x2  }
0xc8: {  	s4 =	sand.u32 $0x4000, s31;
	s1 =	sadd.s32 s1, s30  }
0xc9: {  	s0 =	sor.u32 s4, s0;
	s1 =	sshll.u32 s1, $0x11  }
0xca: {  	s0 =	sor.u32 s1, s0  }
0xcb: {  	s0 =	sadd.s32 $0x8F2B, s0  }
0xcc: {  	[sflag:s0] =	ssyncadd.remote.s32 $0x1  }
0xcd: {  	_ =	sfence.sel $0xFFFF  }
0xce: {  	[dreg:$0x0] =	wrdreg $0xFFFFFFFF;
	(pc) =	sbr.abs _section_cstart, $3  }
0xcf: {  	[dreg:$0x1] =	wrdreg $0xFFFFFFFF  }
0xd0: {  	_ =	task.clear_ibuf [dreg:s22], $0x2FFFF;
	_ =	strace $0x9FFFFFFF  }
0xd1: {  	(tm) =	ssettm $0x7FFFFFFF  }
tec
execute0_lowered:
.L_overlay_start_1:
0x0: {  	(tag) =	ssettag $0x1  }
0x1: {  	s3 =	rddreg [dreg:$0x0]  }
0x2: {  	s4 =	rddreg [dreg:$0x1]  }
0x3: {  	s0 =	rddreg [dreg:$0x2]  }
0x4: {  	s2 =	simm.s32 $0x0;
	s5 =	srdreg.scid;
	s1 =	stileid.u32  }
0x5: {  	[smem:$0x7FF] =	sst s2;
	s6 =	sand.u32 $0x1, s5;
	s7 =	sshll.u32 s1, $0xA  }
0x6: {  	s5 =	sadd.s32 $0x444A00, s3;
	s8 =	sshll.u32 s6, $0x9;
	s6 =	ssub.s32 $0x2, s6  }
0x7: {  	_ =	strace $0x8000004A;
	s7 =	sor.u32 s8, s7;
	s9 =	sshrl.u32 s6, $0x1  }
0x8: {  	s8 =	sshll.u32 s7, $0x4;
	s7 =	sshrl.u32 s7, $0x3;
	s6 =	ssub.s32 s6, s9  }
0x9: {  	s3 =	sadd.s32 s8, s3;
	s16 =	sadd.s32 s4, s7;
	s17 =	smax.u32 s6, $0x1  }
0xa: {  	[tilespmem:s2], [sflag:$0x2] =	stream.linear.gather [hbm4b:s16+s2], $0x200, $0x38;
	[tilespmem:$0x10400] =	vst v63  }
0xb: {  	s4 =	sadd.s32 $0x4C4A00, s3;
	s3 =	simm.s32 $0x2;
	p0 =	sne.s32 s17, $0x1  }
.Ltmp0:
0xc: {  	s10 =	simm.s32 $0x280;
	_ =	swait.ge [sflag:s3], $0x200;
	(pc) =	sbr.rel @!p0 .LBB2_2-.Ltmp0, $4  }
0xd: {  	s11 =	simm.s32 $0x4400;
	s12 =	simm.s32 $0x300;
	[sflag:s3] =	ssyncset.done $0x0  }
0xe: {  	s13 =	simm.s32 $0x8400;
	s14 =	simm.s32 $0x380;
	[sflag:s3] =	ssyncadd.s32 $0xFFFFFE00  }
0xf: {  	s15 =	simm.s32 $0xC400;
	s9 =	simm.s32 $0x200;
	s7 =	simm.s32 $0x80;
	v0 =	vld [tilespmem:$0x130]  }
0x10: {  	s6 =	simm.s32 $0x400;
	s8 =	simm.s32 $0x1;
	s17 =	sadd.s32 $0xFFFFFFFF, s17;
	v1 =	vld [tilespmem:$0x1C0]  }
.LBB2_1:
0x11: {  	p0 =	sne.s32 s17, $0x1;
	s17 =	sadd.s32 $0xFFFFFFFF, s17;
	v2 =	vld [tilespmem:$0x1D0]  }
0x12: {  	v3 =	vld [tilespmem:$0x1E0]  }
0x13: {  	v4 =	vld [tilespmem:$0x20]  }
0x14: {  	v5 =	vld [tilespmem:$0x0]  }
0x15: {  	v6 =	vld [tilespmem:$0x40]  }
0x16: {  	v2 =	vand.u32 $0x7FFF, v2;
	v7 =	vld [tilespmem:$0x1F0]  }
0x17: {  	v1 =	vand.u32 $0x7FFF, v1;
	v8 =	vld [tilespmem:$0x170];
	[tilespmem:$0x3D0] =	vst v2;
	v2 =	vand.u32 $0x7FFF, v3  }
0x18: {  	v0 =	vand.u32 $0x7FFF, v0;
	v3 =	vand.u32 $0x7FFF, v4;
	v4 =	vld [tilespmem:$0x190];
	[tilespmem:$0x3E0] =	vst v2  }
0x19: {  	v2 =	vand.u32 $0x7FFF, v5;
	[tilespmem:$0x220] =	vst v3;
	v3 =	vld [tilespmem:$0x180]  }
0x1a: {  	[tilespmem:$0x200] =	vst v2;
	v2 =	vld [tilespmem:$0x80]  }
0x1b: {  	v5 =	vld [tilespmem:$0x50];
	[tilespmem:$0x330] =	vst v0;
	v0 =	vand.u32 $0x7FFF, v7  }
0x1c: {  	v7 =	vld [tilespmem:$0x60];
	v8 =	vand.u32 $0x7FFF, v8;
	[tilespmem:$0x3C0] =	vst v1  }
0x1d: {  	v1 =	vld [tilespmem:$0x70];
	v4 =	vand.u32 $0x7FFF, v4;
	[tilespmem:$0x3F0] =	vst v0  }
0x1e: {  	v0 =	vand.u32 $0x7FFF, v6;
	v6 =	vld [tilespmem:$0x160];
	[tilespmem:$0x370] =	vst v8;
	v3 =	vand.u32 $0x7FFF, v3  }
0x1f: {  	v8 =	vld [tilespmem:$0x90];
	[tilespmem:$0x390] =	vst v4  }
0x20: {  	v4 =	vand.u32 $0x7FFF, v5;
	v5 =	vld [tilespmem:$0x150];
	[tilespmem:$0x380] =	vst v3  }
0x21: {  	[tilespmem:$0x240] =	vst v0;
	v0 =	vand.u32 $0x7FFF, v7;
	v3 =	vld [tilespmem:$0xA0]  }
0x22: {  	[tilespmem:$0x250] =	vst v4;
	v1 =	vand.u32 $0x7FFF, v1;
	v4 =	vld [tilespmem:$0x140]  }
0x23: {  	v7 =	vld [tilespmem:$0x30];
	[tilespmem:$0x260] =	vst v0;
	v0 =	vand.u32 $0x7FFF, v2;
	v2 =	vand.u32 $0x7FFF, v6  }
0x24: {  	[tilespmem:$0x270] =	vst v1;
	v1 =	vld [tilespmem:$0xB0]  }
0x25: {  	v6 =	vand.u32 $0x7FFF, v8;
	v8 =	vld [tilespmem:$0xC0];
	v5 =	vand.u32 $0x7FFF, v5;
	[tilespmem:$0x360] =	vst v2  }
0x26: {  	[tilespmem:$0x280] =	vst v0;
	v0 =	vand.u32 $0x7FFF, v3;
	v2 =	vld [tilespmem:$0x120]  }
0x27: {  	v3 =	vld [tilespmem:$0xD0];
	v4 =	vand.u32 $0x7FFF, v4;
	[tilespmem:$0x350] =	vst v5  }
0x28: {  	v5 =	vand.u32 $0x7FFF, v7;
	[tilespmem:$0x2A0] =	vst v0;
	v0 =	vld [tilespmem:$0x110]  }
0x29: {  	v1 =	vand.u32 $0x7FFF, v1;
	v7 =	vld [tilespmem:$0xE0];
	[tilespmem:$0x340] =	vst v4  }
0x2a: {  	[tilespmem:$0x230] =	vst v5;
	v4 =	vand.u32 $0x7FFF, v8;
	v5 =	vld [tilespmem:$0x100]  }
0x2b: {  	[tilespmem:$0x2B0] =	vst v1;
	v1 =	vand.u32 $0x7FFF, v2  }
0x2c: {  	[tilespmem:$0x2C0] =	vst v4;
	v2 =	vand.u32 $0x7FFF, v3;
	v3 =	vld [tilespmem:$0xF0]  }
0x2d: {  	v4 =	vld [tilespmem:$0x10];
	v0 =	vand.u32 $0x7FFF, v0;
	[tilespmem:$0x320] =	vst v1  }
0x2e: {  	[tilespmem:$0x2D0] =	vst v2;
	v1 =	vand.u32 $0x7FFF, v7;
	v2 =	vld [tilespmem:$0x1A0]  }
0x2f: {  	v5 =	vand.u32 $0x7FFF, v5;
	[tilespmem:$0x310] =	vst v0;
	v0 =	vld [tilespmem:$0x1B0]  }
0x30: {  	[tilespmem:$0x2E0] =	vst v1  }
0x31: {  	v1 =	vand.u32 $0x7FFF, v3;
	[tilespmem:$0x300] =	vst v5  }
0x32: {  	v3 =	vand.u32 $0x7FFF, v4;
	[tilespmem:$0x290] =	vst v6  }
0x33: {  	[tilespmem:$0x2F0] =	vst v1;
	v1 =	vand.u32 $0x7FFF, v2  }
0x34: {  	[tilespmem:$0x3A0] =	vst v1;
	v0 =	vand.u32 $0x7FFF, v0  }
0x35: {  	[tilespmem:$0x3B0] =	vst v0  }
0x36: {  	[tilespmem:$0x210] =	vst v3  }
0x37: {  	[tilespmem:s6], [sflag:$0x1] =	stream.indirect.gather [hbm4b:s5+s7], $0x80, s9, s7, $0xb8;
	[tilespmem:$0x10400] =	vst v63  }
0x38: {  	_ = 	snop  }
0x39: {  	[tilespmem:s11], [sflag:$0x1] =	stream.indirect.gather [hbm4b:s5+s7], $0x80, s10, s7, $0xb8;
	[tilespmem:$0x10400] =	vst v63  }
0x3a: {  	_ = 	snop  }
0x3b: {  	[tilespmem:s13], [sflag:$0x1] =	stream.indirect.gather [hbm4b:s5+s7], $0x80, s12, s7, $0xb8;
	[tilespmem:$0x10400] =	vst v63  }
0x3c: {  	_ = 	snop  }
0x3d: {  	[tilespmem:s15], [sflag:$0x1] =	stream.indirect.gather [hbm4b:s5+s7], $0x80, s14, s7, $0xb8;
	[tilespmem:$0x10400] =	vst v63  }
0x3e: {  	_ =	swait.ge [sflag:s8], $0x4000  }
0x3f: {  	[sflag:s8] =	ssyncset.done $0x0  }
0x40: {  	[sflag:s8] =	ssyncadd.s32 $0xFFFFC000  }
0x41: {  	_ =	swait.ge [sflag:s8], $0x4000  }
0x42: {  	[sflag:s8] =	ssyncset.done $0x0  }
0x43: {  	[sflag:s8] =	ssyncadd.s32 $0xFFFFC000  }
0x44: {  	_ =	swait.ge [sflag:s8], $0x4000  }
0x45: {  	[sflag:s8] =	ssyncset.done $0x0  }
0x46: {  	[sflag:s8] =	ssyncadd.s32 $0xFFFFC000  }
0x47: {  	_ =	swait.ge [sflag:s8], $0x4000  }
0x48: {  	[sflag:s8] =	ssyncset.done $0x0  }
0x49: {  	[sflag:s8] =	ssyncadd.s32 $0xFFFFC000  }
0x4a: {  	[hbm4b:s4+s2] =	stream.linear.scatter [tilespmem:s6], [sflag:$0x2], $0x10000, $0x38;
	[tilespmem:$0x10400] =	vst v63  }
0x4b: {  	_ =	swait.ge [sflag:s3], $0x10000  }
0x4c: {  	[sflag:s3] =	ssyncset.done $0x0  }
0x4d: {  	[sflag:s3] =	ssyncadd.s32 $0xFFFF0000  }
0x4e: {  	[tilespmem:s2], [sflag:$0x2] =	stream.linear.gather [hbm4b:s16+s2], $0x200, $0x38;
	[tilespmem:$0x10400] =	vst v63  }
.Ltmp1:
0x4f: {  	_ =	swait.ge [sflag:s3], $0x200;
	(pc) =	sbr.rel @p0 .LBB2_1-.Ltmp1, $4  }
0x50: {  	[sflag:s3] =	ssyncset.done $0x0  }
0x51: {  	[sflag:s3] =	ssyncadd.s32 $0xFFFFFE00  }
0x52: {  	v0 =	vld [tilespmem:$0x130]  }
0x53: {  	v1 =	vld [tilespmem:$0x1C0]  }
.LBB2_2:
0x54: {  	v2 =	vld [tilespmem:$0x1D0]  }
0x55: {  	v3 =	vld [tilespmem:$0x1E0]  }
0x56: {  	v4 =	vld [tilespmem:$0x20]  }
0x57: {  	v5 =	vld [tilespmem:$0x0];
	v0 =	vand.u32 $0x7FFF, v0  }
0x58: {  	v6 =	vld [tilespmem:$0x1F0];
	v1 =	vand.u32 $0x7FFF, v1;
	[tilespmem:$0x330] =	vst v0  }
0x59: {  	v29 =	vld [tilespmem:$0x170];
	v2 =	vand.u32 $0x7FFF, v2;
	[tilespmem:$0x3C0] =	vst v1  }
0x5a: {  	v33 =	vld [tilespmem:$0x50];
	v28 =	vand.u32 $0x7FFF, v3;
	[tilespmem:$0x3D0] =	vst v2  }
0x5b: {  	v34 =	vld [tilespmem:$0x60];
	v4 =	vand.u32 $0x7FFF, v4;
	[tilespmem:$0x3E0] =	vst v28  }
0x5c: {  	v35 =	vld [tilespmem:$0x70];
	v5 =	vand.u32 $0x7FFF, v5;
	[tilespmem:$0x220] =	vst v4  }
0x5d: {  	v37 =	vld [tilespmem:$0x80];
	v6 =	vand.u32 $0x7FFF, v6;
	[tilespmem:$0x200] =	vst v5  }
0x5e: {  	v39 =	vld [tilespmem:$0xA0];
	v3 =	vand.u32 $0x7FFF, v29;
	[tilespmem:$0x3F0] =	vst v6  }
0x5f: {  	v42 =	vld [tilespmem:$0x30];
	v0 =	vand.u32 $0x7FFF, v33;
	[tilespmem:$0x370] =	vst v3  }
0x60: {  	v45 =	vld [tilespmem:$0xC0];
	v1 =	vand.u32 $0x7FFF, v34;
	[tilespmem:$0x250] =	vst v0  }
0x61: {  	v48 =	vld [tilespmem:$0xD0];
	v40 =	vand.u32 $0x7FFF, v35;
	[tilespmem:$0x260] =	vst v1  }
0x62: {  	v51 =	vld [tilespmem:$0xE0];
	v43 =	vand.u32 $0x7FFF, v37;
	[tilespmem:$0x270] =	vst v40  }
0x63: {  	v56 =	vld [tilespmem:$0xF0];
	v46 =	vand.u32 $0x7FFF, v39;
	[tilespmem:$0x280] =	vst v43  }
0x64: {  	v59 =	vld [tilespmem:$0x1B0];
	v49 =	vand.u32 $0x7FFF, v42;
	[tilespmem:$0x2A0] =	vst v46  }
0x65: {  	v60 =	vld [tilespmem:$0x10];
	v52 =	vand.u32 $0x7FFF, v45;
	[tilespmem:$0x230] =	vst v49  }
0x66: {  	v30 =	vld [tilespmem:$0x190];
	v55 =	vand.u32 $0x7FFF, v48;
	[tilespmem:$0x2C0] =	vst v52  }
0x67: {  	v31 =	vld [tilespmem:$0x180];
	v58 =	vand.u32 $0x7FFF, v51;
	[tilespmem:$0x2D0] =	vst v55  }
0x68: {  	v32 =	vld [tilespmem:$0x40];
	v61 =	vand.u32 $0x7FFF, v56;
	[tilespmem:$0x2E0] =	vst v58  }
0x69: {  	v36 =	vld [tilespmem:$0x160];
	v62 =	vand.u32 $0x7FFF, v59;
	[tilespmem:$0x2F0] =	vst v61  }
0x6a: {  	v41 =	vld [tilespmem:$0x140];
	v63 =	vand.u32 $0x7FFF, v60;
	[tilespmem:$0x3B0] =	vst v62  }
0x6b: {  	v50 =	vld [tilespmem:$0x110];
	v2 =	vand.u32 $0x7FFF, v30;
	[tilespmem:$0x210] =	vst v63  }
0x6c: {  	v57 =	vld [tilespmem:$0x1A0];
	v4 =	vand.u32 $0x7FFF, v31;
	[tilespmem:$0x390] =	vst v2  }
0x6d: {  	v38 =	vld [tilespmem:$0x150];
	v5 =	vand.u32 $0x7FFF, v32;
	[tilespmem:$0x380] =	vst v4  }
0x6e: {  	v44 =	vld [tilespmem:$0xB0];
	v3 =	vand.u32 $0x7FFF, v36;
	[tilespmem:$0x240] =	vst v5  }
0x6f: {  	v47 =	vld [tilespmem:$0x120];
	v6 =	vand.u32 $0x7FFF, v41;
	[tilespmem:$0x360] =	vst v3  }
0x70: {  	v53 =	vld [tilespmem:$0x100];
	v1 =	vand.u32 $0x7FFF, v50;
	[tilespmem:$0x340] =	vst v6  }
0x71: {  	v54 =	vld [tilespmem:$0x90];
	v0 =	vand.u32 $0x7FFF, v57;
	[tilespmem:$0x310] =	vst v1  }
0x72: {  	v4 =	vand.u32 $0x7FFF, v38;
	[tilespmem:$0x3A0] =	vst v0  }
0x73: {  	v2 =	vand.u32 $0x7FFF, v44;
	[tilespmem:$0x350] =	vst v4  }
0x74: {  	v5 =	vand.u32 $0x7FFF, v47;
	[tilespmem:$0x2B0] =	vst v2  }
0x75: {  	v3 =	vand.u32 $0x7FFF, v53;
	[tilespmem:$0x320] =	vst v5  }
0x76: {  	v2 =	vand.u32 $0x7FFF, v54;
	[tilespmem:$0x300] =	vst v3  }
0x77: {  	[tilespmem:$0x290] =	vst v2  }
0x78: {  	[tilespmem:s6], [sflag:$0x1] =	stream.indirect.gather [hbm4b:s5+s7], $0x80, s9, s7, $0xb8;
	[tilespmem:$0x10400] =	vst v63  }
0x79: {  	_ = 	snop  }
0x7a: {  	[tilespmem:s11], [sflag:$0x1] =	stream.indirect.gather [hbm4b:s5+s7], $0x80, s10, s7, $0xb8;
	[tilespmem:$0x10400] =	vst v63  }
0x7b: {  	_ = 	snop  }
0x7c: {  	[tilespmem:s13], [sflag:$0x1] =	stream.indirect.gather [hbm4b:s5+s7], $0x80, s12, s7, $0xb8;
	[tilespmem:$0x10400] =	vst v63  }
0x7d: {  	_ = 	snop  }
0x7e: {  	[tilespmem:s15], [sflag:$0x1] =	stream.indirect.gather [hbm4b:s5+s7], $0x80, s14, s7, $0xb8;
	[tilespmem:$0x10400] =	vst v63  }
0x7f: {  	_ =	swait.ge [sflag:s8], $0x4000  }
0x80: {  	[sflag:s8] =	ssyncset.done $0x0  }
0x81: {  	[sflag:s8] =	ssyncadd.s32 $0xFFFFC000  }
0x82: {  	_ =	swait.ge [sflag:s8], $0x4000  }
0x83: {  	[sflag:s8] =	ssyncset.done $0x0  }
0x84: {  	[sflag:s8] =	ssyncadd.s32 $0xFFFFC000  }
0x85: {  	_ =	swait.ge [sflag:s8], $0x4000  }
0x86: {  	[sflag:s8] =	ssyncset.done $0x0  }
0x87: {  	[sflag:s8] =	ssyncadd.s32 $0xFFFFC000  }
0x88: {  	_ =	swait.ge [sflag:s8], $0x4000  }
0x89: {  	[sflag:s8] =	ssyncset.done $0x0  }
0x8a: {  	[sflag:s8] =	ssyncadd.s32 $0xFFFFC000  }
0x8b: {  	[hbm4b:s4+s2] =	stream.linear.scatter [tilespmem:s6], [sflag:$0x2], $0x10000, $0x38;
	[tilespmem:$0x10400] =	vst v63  }
0x8c: {  	_ =	swait.ge [sflag:s3], $0x10000  }
0x8d: {  	[sflag:s3] =	ssyncset.done $0x0  }
0x8e: {  	[sflag:s3] =	ssyncadd.s32 $0xFFFF0000  }
0x8f: {  	_ =	sfence.sel $0x180000  }
0x90: {  	[bflag:$0x0] =	sbarrier.arrive $0xFFFF  }
0x91: {  	p0 =	sne.s32 s1, $0x0;
	_ =	strace $0x9000004A  }
0x92: {  	s0 =	sadd.s32 @!p0 $0x100000, s0;
	[bflag:$0x2] =	sbarrier.arrive $0xFFFF  }
0x93: {  	[sflag:s0] =	ssyncadd.tile.s32 @!p0 $0x1;
	_ =	shalt  }
.Lfunc_end2:
_tile_overlayer_lowered:
.L_overlay_start_2:
0x94: {  	(tag) =	ssettag $0x2  }
0x95: {  	s0 =	rddreg [dreg:$0x0];
	s2 =	stileid.u32  }
0x96: {  	s1 =	rddreg [dreg:$0x1];
	p0 =	sne.s32 s2, $0x0  }
0x97: {  	s3 =	rddreg [dreg:$0x2];
	[bflag:$0x3] =	sbarrier.arrive $0xFFFF;
	s2 =	simm.s32 @!p0 $0x1C02  }
0x98: {  	[timem:s3], [sflag:s2] =	dma.local @!p0 [hbm:s0], s1  }
0x99: {  	s0 =	simm.s32 @!p0 $0x2  }
0x9a: {  	_ =	swait.ge @!p0 [sflag:s0], s1  }
0x9b: {  	s1 =	ssub.s32 @!p0 $0x0, s1;
	[sflag:s0] =	ssyncset.done @!p0 $0x0  }
0x9c: {  	[sflag:s0] =	ssyncadd.s32 @!p0 s1  }
0x9d: {  	[bflag:$0x3] =	sbarrier.arrive $0xFFFF  }
0x9e: {  	_ =	shalt  }

</sc_bundles>
